<compile_context>
chip_gen: v7x
topology: tpu7x:2x2x1
jax: 0.10.2.dev20260603
libtpu: 0.0.44.dev20260713+nightly
codegen_flags: <defaults>
</compile_context>

<pallas_src>
import functools

import jax
import jax.numpy as jnp
from jax import lax
from jax.experimental import pallas as pl
from jax.experimental.pallas import tpu as pltpu
from jax.experimental.pallas import tpu_sc as plsc

SCALE = 511.0
B, C, H, W = 2, 128, 512, 512
HW = H * W
N = 131072

NC, NS, L = 2, 16, 16
NW = NC * NS
PTS_PER_W = (B * N) // NW
P = 128
CHUNKS = PTS_PER_W // P

HCHUNK = 4096
NCHUNK = 2048


def _tr_in_body(g_ref, t_ref):
    t_ref[...] = g_ref[0].T


def _build_table(grid3):
    nblk = HW // HCHUNK
    return pl.pallas_call(
        _tr_in_body,
        grid=(B, nblk),
        in_specs=[pl.BlockSpec((1, C, HCHUNK), lambda b, j: (b, 0, j))],
        out_specs=pl.BlockSpec((HCHUNK, C), lambda b, j: (b * nblk + j, 0)),
        out_shape=jax.ShapeDtypeStruct((B * HW, C), jnp.float32),
    )(grid3)


def _tr_out_body(p_ref, o_ref):
    o_ref[0] = p_ref[0].T


def _transpose_out(pm):
    nblk = N // NCHUNK
    return pl.pallas_call(
        _tr_out_body,
        grid=(B, nblk),
        in_specs=[pl.BlockSpec((1, NCHUNK, C), lambda b, j: (b, j, 0))],
        out_specs=pl.BlockSpec((1, C, NCHUNK), lambda b, j: (b, 0, j)),
        out_shape=jax.ShapeDtypeStruct((B, C, N), jnp.float32),
    )(pm)


@functools.partial(
    pl.kernel,
    out_type=jax.ShapeDtypeStruct((B, N, C), jnp.float32),
    mesh=plsc.VectorSubcoreMesh(core_axis_name="c", subcore_axis_name="s"),
    compiler_params=pltpu.CompilerParams(needs_layout_passes=False),
    scratch_types=[
        pltpu.VMEM((2 * P,), jnp.float32),
        pltpu.VMEM((4 * P,), jnp.int32),
        pltpu.VMEM((P,), jnp.float32),
        pltpu.VMEM((P,), jnp.float32),
        pltpu.VMEM((4 * P, C), jnp.float32),
        pltpu.VMEM((P, C), jnp.float32),
        pltpu.SemaphoreType.DMA,
    ],
)
def _sc_gather(table, pc_hbm, out, cv, iall, wh, ww, rall, opm, sem):
    cid = lax.axis_index("c")
    sid = lax.axis_index("s")
    wid = sid * NC + cid
    b = wid // NS
    lane = wid % NS
    base = lane * PTS_PER_W
    iota = lax.iota(jnp.int32, L)
    boff = b * HW

    def chunk(g, carry):
        n0 = base + g * P
        pltpu.sync_copy(pc_hbm.at[b, pl.ds(2 * n0, 2 * P)], cv)
        for t in range(P // L):
            sl = pl.ds(t * L, L)
            hv = plsc.load_gather(cv, [t * (2 * L) + iota * 2]) * SCALE
            wv = plsc.load_gather(cv, [t * (2 * L) + iota * 2 + 1]) * SCALE
            h0i = hv.astype(jnp.int32)
            w0i = wv.astype(jnp.int32)
            wh[sl] = hv - h0i.astype(jnp.float32)
            ww[sl] = wv - w0i.astype(jnp.float32)
            r0 = boff + h0i * W + w0i
            iall[pl.ds(t * L, L)] = r0
            iall[pl.ds(P + t * L, L)] = r0 + 1
            iall[pl.ds(2 * P + t * L, L)] = r0 + W
            iall[pl.ds(3 * P + t * L, L)] = r0 + (W + 1)
        pltpu.async_copy(table.at[iall], rall, sem).wait()

        def pt(i, carry2):
            iv = jnp.full((L,), i, jnp.int32)
            ah = plsc.load_gather(wh, [iv])
            aw = plsc.load_gather(ww, [iv])
            for t in range(C // L):
                sl = pl.ds(t * L, L)
                f00 = rall[i, sl]
                f01 = rall[P + i, sl]
                f10 = rall[2 * P + i, sl]
                f11 = rall[3 * P + i, sl]
                l0 = f00 + aw * (f01 - f00)
                l1 = f10 + aw * (f11 - f10)
                opm[i, sl] = l0 + ah * (l1 - l0)
            return carry2

        lax.fori_loop(0, P, pt, 0, unroll=2)
        pltpu.sync_copy(opm, out.at[b, pl.ds(n0, P), :])
        return carry

    lax.fori_loop(0, CHUNKS, chunk, 0)


def kernel(grid_in, pcds_ind):
    grid3 = grid_in.reshape(B, C, HW)
    table = _build_table(grid3)
    pc = pcds_ind.reshape(B, 2 * N)
    pm = _sc_gather(table, pc)
    out = _transpose_out(pm)
    return out[..., None]

# --- scband reference (transcript-rebuilt; emitter-appended) ---
"""Pipeline reference for scband-g2-pmodule-84164179132874 (READ-ONLY COPY).

The authoritative reference and input builder live on the scoring server;
editing this copy changes nothing except your own understanding.
"""

import jax, jax.numpy as jnp
import numpy as np

SCALE_RATE = 511.0


def setup_inputs(seed: int = 0) -> dict:
    key = jax.random.key(seed)
    k1, k2 = jax.random.split(key)
    grid_in = jax.random.normal(k1, (2, 128, 512, 512), dtype=jnp.float32)
    pcds_ind = jax.random.uniform(k2, (2, 131072, 2, 1), dtype=jnp.float32)
    return {"grid_in": grid_in, "pcds_ind": pcds_ind}


def _grid2point(grid_in, pcds_ind, scale_rate):
    # grid_in: (B, C, H, W); pcds_ind: (B, N, 2, 1) float coords
    # returns pcds_feat: (B, C, N, 1) via bilinear interpolation
    B, C, H, W = grid_in.shape
    coords = pcds_ind[..., 0] * scale_rate  # (B, N, 2) -> (h, w)
    h = coords[..., 0]
    w = coords[..., 1]
    h0 = jnp.floor(h)
    w0 = jnp.floor(w)
    h1 = h0 + 1.0
    w1 = w0 + 1.0
    wh1 = h - h0
    wh0 = 1.0 - wh1
    ww1 = w - w0
    ww0 = 1.0 - ww1
    h0i = jnp.clip(h0, 0, H - 1).astype(jnp.int32)
    h1i = jnp.clip(h1, 0, H - 1).astype(jnp.int32)
    w0i = jnp.clip(w0, 0, W - 1).astype(jnp.int32)
    w1i = jnp.clip(w1, 0, W - 1).astype(jnp.int32)
    flat = grid_in.reshape(B, C, H * W)

    def gather(hi, wi):
        idx = hi * W + wi  # (B, N)
        return jnp.take_along_axis(flat, idx[:, None, :], axis=2)  # (B, C, N)

    f00 = gather(h0i, w0i)
    f01 = gather(h0i, w1i)
    f10 = gather(h1i, w0i)
    f11 = gather(h1i, w1i)
    out = (f00 * (wh0 * ww0)[:, None, :]
           + f01 * (wh0 * ww1)[:, None, :]
           + f10 * (wh1 * ww0)[:, None, :]
           + f11 * (wh1 * ww1)[:, None, :])
    return out[..., None]  # (B, C, N, 1)


def reference(grid_in, pcds_ind):
    return _grid2point(grid_in, pcds_ind, SCALE_RATE)

if __name__ == "__main__":
    import jax
    _d = setup_inputs()
    print(jax.jit(kernel)(*tuple(_d.values())))

</pallas_src>

<mosaic_0001>
#map = affine_map<(d0, d1) -> (0, 0)>
#map1 = affine_map<(d0, d1) -> (0, 0, 0)>
module attributes {stable_mosaic.version = 14 : i64} {
  func.func @_sc_gather(%arg0: i32, %arg1: i32, %arg2: memref<524288x128xf32, #tpu.memory_space<hbm>>, %arg3: memref<2x262144xf32, #tpu.memory_space<hbm>>, %arg4: memref<2x131072x128xf32, #tpu.memory_space<hbm>>, %arg5: memref<256xf32, #tpu.memory_space<vmem>>, %arg6: memref<512xi32, #tpu.memory_space<vmem>>, %arg7: memref<128xf32, #tpu.memory_space<vmem>>, %arg8: memref<128xf32, #tpu.memory_space<vmem>>, %arg9: memref<512x128xf32, #tpu.memory_space<vmem>>, %arg10: memref<128x128xf32, #tpu.memory_space<vmem>>, %arg11: memref<!tpu.dma_semaphore, #tpu.memory_space<semaphore_mem>>) attributes {dimension_semantics = [#tpu.dimension_semantics<core_parallel>, #tpu.dimension_semantics<subcore_parallel>], iteration_bounds = array<i64: 2, 16>, scalar_prefetch = 0 : i64, scratch_operands = 7 : i64, tpu.core_type = #tpu.core_type<sc_vector_subcore>, window_params = [{transform_indices = #map}, {transform_indices = #map}, {transform_indices = #map1}]} {
    %mul3A = arith.constant 2 : i32
    %mul3A_0 = arith.muli %arg1, %mul3A : i32
    %add3A = arith.addi %mul3A_0, %arg0 : i32
    %jit3A = arith.constant 16 : i32
    %div3A = arith.divsi %add3A, %jit3A : i32
    %sign3A = arith.constant 0 : i32
    %sign3A_1 = arith.cmpi sgt, %add3A, %sign3A : i32
    %sign3A_2 = arith.extui %sign3A_1 : i1 to i32
    %sign3A_3 = arith.constant 0 : i32
    %sign3A_4 = arith.cmpi slt, %add3A, %sign3A_3 : i32
    %sign3A_5 = arith.extui %sign3A_4 : i1 to i32
    %sign3A_6 = arith.subi %sign3A_2, %sign3A_5 : i32
    %sign3A_7 = arith.constant 0 : i32
    %sign3A_8 = arith.cmpi sgt, %jit3A, %sign3A_7 : i32
    %sign3A_9 = arith.extui %sign3A_8 : i1 to i32
    %sign3A_10 = arith.constant 0 : i32
    %sign3A_11 = arith.cmpi slt, %jit3A, %sign3A_10 : i32
    %sign3A_12 = arith.extui %sign3A_11 : i1 to i32
    %sign3A_13 = arith.subi %sign3A_9, %sign3A_12 : i32
    %ne3A = arith.cmpi ne, %sign3A_6, %sign3A_13 : i32
    %rem3A = arith.remsi %add3A, %jit3A : i32
    %ne3A_14 = arith.constant 0 : i32
    %ne3A_15 = arith.cmpi ne, %rem3A, %ne3A_14 : i32
    %and3A = arith.andi %ne3A, %ne3A_15 : i1
    %sub3A = arith.constant 1 : i32
    %sub3A_16 = arith.subi %div3A, %sub3A : i32
    %select_n3A = arith.select %and3A, %sub3A_16, %div3A : i32
    %jit3A_17 = arith.constant 16 : i32
    %eq3A = arith.constant 0 : i32
    %eq3A_18 = arith.cmpi eq, %jit3A_17, %eq3A : i32
    %jit3A_19 = arith.constant 1 : i32
    %select_n3A_20 = arith.select %eq3A_18, %jit3A_19, %jit3A_17 : i32
    %rem3A_21 = arith.remsi %add3A, %select_n3A_20 : i32
    %ne3A_22 = arith.constant 0 : i32
    %ne3A_23 = arith.cmpi ne, %rem3A_21, %ne3A_22 : i32
    %lt3A = arith.constant 0 : i32
    %lt3A_24 = arith.cmpi slt, %rem3A_21, %lt3A : i32
    %lt3A_25 = arith.constant 0 : i32
    %lt3A_26 = arith.cmpi slt, %select_n3A_20, %lt3A_25 : i32
    %ne3A_27 = arith.xori %lt3A_24, %lt3A_26 : i1
    %and3A_28 = arith.andi %ne3A_27, %ne3A_23 : i1
    %add3A_29 = arith.addi %rem3A_21, %select_n3A_20 : i32
    %select_n3A_30 = arith.select %and3A_28, %add3A_29, %rem3A_21 : i32
    %mul3A_31 = arith.constant 8192 : i32
    %mul3A_32 = arith.muli %select_n3A_30, %mul3A_31 : i32
    %iota3A = tpu.iota {dimensions = array<i32: 0>} : vector<16xi32>
    %mul3A_33 = arith.constant 262144 : i32
    %mul3A_34 = arith.muli %select_n3A, %mul3A_33 : i32
    %scan3A = arith.constant 0 : i32
    %scan3A_35 = arith.constant 0 : i32
    %scan3A_36 = arith.constant 64 : i32
    %scan3A_37 = arith.addi %scan3A_35, %scan3A_36 : i32
    %scan3A_38 = arith.constant 1 : i32
    scf.for %scan3A_40 = %scan3A_35 to %scan3A_37 step %scan3A_38  : i32 {
      %mul3A_41 = arith.constant 128 : i32
      %mul3A_42 = arith.muli %scan3A_40, %mul3A_41 : i32
      %add3A_43 = arith.addi %mul3A_32, %mul3A_42 : i32
      %mul3A_44 = arith.constant 2 : i32
      %mul3A_45 = arith.muli %mul3A_44, %add3A_43 : i32
      "tpu.region"() ({
        %run_scoped3A = tpu.sem_alloc : memref<!tpu.dma_semaphore, #tpu.memory_space<semaphore_mem>>
        %dma_start3A_501 = tpu.memref_slice %arg3[%select_n3A, %mul3A_45] : memref<2x262144xf32, #tpu.memory_space<hbm>> -> memref<1x256xf32, #tpu.memory_space<hbm>>
        %dma_start3A_502 = tpu.memref_squeeze %dma_start3A_501 : memref<1x256xf32, #tpu.memory_space<hbm>> -> memref<256xf32, #tpu.memory_space<hbm>>
        %dma_start3A_503 = tpu.memref_slice %arg3[%select_n3A, %mul3A_45] : memref<2x262144xf32, #tpu.memory_space<hbm>> -> memref<1x256xf32, #tpu.memory_space<hbm>>
        %dma_start3A_504 = tpu.memref_squeeze %dma_start3A_503 : memref<1x256xf32, #tpu.memory_space<hbm>> -> memref<256xf32, #tpu.memory_space<hbm>>
        tpu.enqueue_dma source(%dma_start3A_504 : memref<256xf32, #tpu.memory_space<hbm>>) target(%arg5 : memref<256xf32, #tpu.memory_space<vmem>>) target_semaphore(%run_scoped3A : memref<!tpu.dma_semaphore, #tpu.memory_space<semaphore_mem>>)
        %dma_wait3A_505 = tpu.memref_slice %arg3[%select_n3A, %mul3A_45] : memref<2x262144xf32, #tpu.memory_space<hbm>> -> memref<1x256xf32, #tpu.memory_space<hbm>>
        %dma_wait3A_506 = tpu.memref_squeeze %dma_wait3A_505 : memref<1x256xf32, #tpu.memory_space<hbm>> -> memref<256xf32, #tpu.memory_space<hbm>>
        %dma_wait3A_507 = tpu.memref_slice %arg3[%select_n3A, %mul3A_45] : memref<2x262144xf32, #tpu.memory_space<hbm>> -> memref<1x256xf32, #tpu.memory_space<hbm>>
        %dma_wait3A_508 = tpu.memref_squeeze %dma_wait3A_507 : memref<1x256xf32, #tpu.memory_space<hbm>> -> memref<256xf32, #tpu.memory_space<hbm>>
        tpu.wait_dma2 semaphore(%run_scoped3A : memref<!tpu.dma_semaphore, #tpu.memory_space<semaphore_mem>>) src(%dma_wait3A_508 : memref<256xf32, #tpu.memory_space<hbm>>) dst(%arg5 : memref<256xf32, #tpu.memory_space<vmem>>)
        tpu.yield
      }) : () -> ()
      %mul3A_46 = arith.constant 2 : i32
      %mul3A_47 = vector.broadcast %mul3A_46 : i32 to vector<16xi32>
      %mul3A_48 = arith.muli %iota3A, %mul3A_47 : vector<16xi32>
      %add3A_49 = arith.constant 0 : i32
      %add3A_50 = vector.broadcast %add3A_49 : i32 to vector<16xi32>
      %add3A_51 = arith.addi %add3A_50, %mul3A_48 : vector<16xi32>
      %gather3A = tpu.vector_load_idx %arg5[%add3A_51] : memref<256xf32, #tpu.memory_space<vmem>>[vector<16xi32>], vector<16xf32>,
      %mul3A_52 = arith.constant 5.110000e+02 : f32
      %mul3A_53 = vector.broadcast %mul3A_52 : f32 to vector<16xf32>
      %mul3A_54 = arith.mulf %gather3A, %mul3A_53 : vector<16xf32>
      %mul3A_55 = arith.constant 2 : i32
      %mul3A_56 = vector.broadcast %mul3A_55 : i32 to vector<16xi32>
      %mul3A_57 = arith.muli %iota3A, %mul3A_56 : vector<16xi32>
      %add3A_58 = arith.constant 0 : i32
      %add3A_59 = vector.broadcast %add3A_58 : i32 to vector<16xi32>
      %add3A_60 = arith.addi %add3A_59, %mul3A_57 : vector<16xi32>
      %add3A_61 = arith.constant 1 : i32
      %add3A_62 = vector.broadcast %add3A_61 : i32 to vector<16xi32>
      %add3A_63 = arith.addi %add3A_60, %add3A_62 : vector<16xi32>
      %gather3A_64 = tpu.vector_load_idx %arg5[%add3A_63] : memref<256xf32, #tpu.memory_space<vmem>>[vector<16xi32>], vector<16xf32>,
      %mul3A_65 = arith.constant 5.110000e+02 : f32
      %mul3A_66 = vector.broadcast %mul3A_65 : f32 to vector<16xf32>
      %mul3A_67 = arith.mulf %gather3A_64, %mul3A_66 : vector<16xf32>
      %convert_element_type3A = arith.fptosi %mul3A_54 : vector<16xf32> to vector<16xi32>
      %convert_element_type3A_68 = arith.fptosi %mul3A_67 : vector<16xf32> to vector<16xi32>
      %convert_element_type3A_69 = arith.sitofp %convert_element_type3A : vector<16xi32> to vector<16xf32>
      %sub3A_70 = arith.subf %mul3A_54, %convert_element_type3A_69 : vector<16xf32>
      %swap3A = arith.constant 0 : index
      %swap3A_71 = tpu.vector_load %arg7[%swap3A] {strides = array<i32>} : memref<128xf32, #tpu.memory_space<vmem>>, vector<16xf32>,
      tpu.vector_store %arg7[%swap3A], %sub3A_70 {strides = array<i32>} : memref<128xf32, #tpu.memory_space<vmem>>, vector<16xf32>,
      %convert_element_type3A_72 = arith.sitofp %convert_element_type3A_68 : vector<16xi32> to vector<16xf32>
      %sub3A_73 = arith.subf %mul3A_67, %convert_element_type3A_72 : vector<16xf32>
      %swap3A_74 = arith.constant 0 : index
      %swap3A_75 = tpu.vector_load %arg8[%swap3A_74] {strides = array<i32>} : memref<128xf32, #tpu.memory_space<vmem>>, vector<16xf32>,
      tpu.vector_store %arg8[%swap3A_74], %sub3A_73 {strides = array<i32>} : memref<128xf32, #tpu.memory_space<vmem>>, vector<16xf32>,
      %mul3A_76 = arith.constant 512 : i32
      %mul3A_77 = vector.broadcast %mul3A_76 : i32 to vector<16xi32>
      %mul3A_78 = arith.muli %convert_element_type3A, %mul3A_77 : vector<16xi32>
      %add3A_79 = vector.broadcast %mul3A_34 : i32 to vector<16xi32>
      %add3A_80 = arith.addi %add3A_79, %mul3A_78 : vector<16xi32>
      %add3A_81 = arith.addi %add3A_80, %convert_element_type3A_68 : vector<16xi32>
      %swap3A_82 = arith.constant 0 : index
      %swap3A_83 = tpu.vector_load %arg6[%swap3A_82] {strides = array<i32>} : memref<512xi32, #tpu.memory_space<vmem>>, vector<16xi32>,
      tpu.vector_store %arg6[%swap3A_82], %add3A_81 {strides = array<i32>} : memref<512xi32, #tpu.memory_space<vmem>>, vector<16xi32>,
      %add3A_84 = arith.constant 1 : i32
      %add3A_85 = vector.broadcast %add3A_84 : i32 to vector<16xi32>
      %add3A_86 = arith.addi %add3A_81, %add3A_85 : vector<16xi32>
      %swap3A_87 = arith.constant 128 : index
      %swap3A_88 = tpu.vector_load %arg6[%swap3A_87] {strides = array<i32>} : memref<512xi32, #tpu.memory_space<vmem>>, vector<16xi32>,
      tpu.vector_store %arg6[%swap3A_87], %add3A_86 {strides = array<i32>} : memref<512xi32, #tpu.memory_space<vmem>>, vector<16xi32>,
      %add3A_89 = arith.constant 512 : i32
      %add3A_90 = vector.broadcast %add3A_89 : i32 to vector<16xi32>
      %add3A_91 = arith.addi %add3A_81, %add3A_90 : vector<16xi32>
      %swap3A_92 = arith.constant 256 : index
      %swap3A_93 = tpu.vector_load %arg6[%swap3A_92] {strides = array<i32>} : memref<512xi32, #tpu.memory_space<vmem>>, vector<16xi32>,
      tpu.vector_store %arg6[%swap3A_92], %add3A_91 {strides = array<i32>} : memref<512xi32, #tpu.memory_space<vmem>>, vector<16xi32>,
      %add3A_94 = arith.constant 513 : i32
      %add3A_95 = vector.broadcast %add3A_94 : i32 to vector<16xi32>
      %add3A_96 = arith.addi %add3A_81, %add3A_95 : vector<16xi32>
      %swap3A_97 = arith.constant 384 : index
      %swap3A_98 = tpu.vector_load %arg6[%swap3A_97] {strides = array<i32>} : memref<512xi32, #tpu.memory_space<vmem>>, vector<16xi32>,
      tpu.vector_store %arg6[%swap3A_97], %add3A_96 {strides = array<i32>} : memref<512xi32, #tpu.memory_space<vmem>>, vector<16xi32>,
      %mul3A_99 = arith.constant 2 : i32
      %mul3A_100 = vector.broadcast %mul3A_99 : i32 to vector<16xi32>
      %mul3A_101 = arith.muli %iota3A, %mul3A_100 : vector<16xi32>
      %add3A_102 = arith.constant 32 : i32
      %add3A_103 = vector.broadcast %add3A_102 : i32 to vector<16xi32>
      %add3A_104 = arith.addi %add3A_103, %mul3A_101 : vector<16xi32>
      %gather3A_105 = tpu.vector_load_idx %arg5[%add3A_104] : memref<256xf32, #tpu.memory_space<vmem>>[vector<16xi32>], vector<16xf32>,
      %mul3A_106 = arith.constant 5.110000e+02 : f32
      %mul3A_107 = vector.broadcast %mul3A_106 : f32 to vector<16xf32>
      %mul3A_108 = arith.mulf %gather3A_105, %mul3A_107 : vector<16xf32>
      %mul3A_109 = arith.constant 2 : i32
      %mul3A_110 = vector.broadcast %mul3A_109 : i32 to vector<16xi32>
      %mul3A_111 = arith.muli %iota3A, %mul3A_110 : vector<16xi32>
      %add3A_112 = arith.constant 32 : i32
      %add3A_113 = vector.broadcast %add3A_112 : i32 to vector<16xi32>
      %add3A_114 = arith.addi %add3A_113, %mul3A_111 : vector<16xi32>
      %add3A_115 = arith.constant 1 : i32
      %add3A_116 = vector.broadcast %add3A_115 : i32 to vector<16xi32>
      %add3A_117 = arith.addi %add3A_114, %add3A_116 : vector<16xi32>
      %gather3A_118 = tpu.vector_load_idx %arg5[%add3A_117] : memref<256xf32, #tpu.memory_space<vmem>>[vector<16xi32>], vector<16xf32>,
      %mul3A_119 = arith.constant 5.110000e+02 : f32
      %mul3A_120 = vector.broadcast %mul3A_119 : f32 to vector<16xf32>
      %mul3A_121 = arith.mulf %gather3A_118, %mul3A_120 : vector<16xf32>
      %convert_element_type3A_122 = arith.fptosi %mul3A_108 : vector<16xf32> to vector<16xi32>
      %convert_element_type3A_123 = arith.fptosi %mul3A_121 : vector<16xf32> to vector<16xi32>
      %convert_element_type3A_124 = arith.sitofp %convert_element_type3A_122 : vector<16xi32> to vector<16xf32>
      %sub3A_125 = arith.subf %mul3A_108, %convert_element_type3A_124 : vector<16xf32>
      %swap3A_126 = arith.constant 16 : index
      %swap3A_127 = tpu.vector_load %arg7[%swap3A_126] {strides = array<i32>} : memref<128xf32, #tpu.memory_space<vmem>>, vector<16xf32>,
      tpu.vector_store %arg7[%swap3A_126], %sub3A_125 {strides = array<i32>} : memref<128xf32, #tpu.memory_space<vmem>>, vector<16xf32>,
      %convert_element_type3A_128 = arith.sitofp %convert_element_type3A_123 : vector<16xi32> to vector<16xf32>
      %sub3A_129 = arith.subf %mul3A_121, %convert_element_type3A_128 : vector<16xf32>
      %swap3A_130 = arith.constant 16 : index
      %swap3A_131 = tpu.vector_load %arg8[%swap3A_130] {strides = array<i32>} : memref<128xf32, #tpu.memory_space<vmem>>, vector<16xf32>,
      tpu.vector_store %arg8[%swap3A_130], %sub3A_129 {strides = array<i32>} : memref<128xf32, #tpu.memory_space<vmem>>, vector<16xf32>,
      %mul3A_132 = arith.constant 512 : i32
      %mul3A_133 = vector.broadcast %mul3A_132 : i32 to vector<16xi32>
      %mul3A_134 = arith.muli %convert_element_type3A_122, %mul3A_133 : vector<16xi32>
      %add3A_135 = vector.broadcast %mul3A_34 : i32 to vector<16xi32>
      %add3A_136 = arith.addi %add3A_135, %mul3A_134 : vector<16xi32>
      %add3A_137 = arith.addi %add3A_136, %convert_element_type3A_123 : vector<16xi32>
      %swap3A_138 = arith.constant 16 : index
      %swap3A_139 = tpu.vector_load %arg6[%swap3A_138] {strides = array<i32>} : memref<512xi32, #tpu.memory_space<vmem>>, vector<16xi32>,
      tpu.vector_store %arg6[%swap3A_138], %add3A_137 {strides = array<i32>} : memref<512xi32, #tpu.memory_space<vmem>>, vector<16xi32>,
      %add3A_140 = arith.constant 1 : i32
      %add3A_141 = vector.broadcast %add3A_140 : i32 to vector<16xi32>
      %add3A_142 = arith.addi %add3A_137, %add3A_141 : vector<16xi32>
      %swap3A_143 = arith.constant 144 : index
      %swap3A_144 = tpu.vector_load %arg6[%swap3A_143] {strides = array<i32>} : memref<512xi32, #tpu.memory_space<vmem>>, vector<16xi32>,
      tpu.vector_store %arg6[%swap3A_143], %add3A_142 {strides = array<i32>} : memref<512xi32, #tpu.memory_space<vmem>>, vector<16xi32>,
      %add3A_145 = arith.constant 512 : i32
      %add3A_146 = vector.broadcast %add3A_145 : i32 to vector<16xi32>
      %add3A_147 = arith.addi %add3A_137, %add3A_146 : vector<16xi32>
      %swap3A_148 = arith.constant 272 : index
      %swap3A_149 = tpu.vector_load %arg6[%swap3A_148] {strides = array<i32>} : memref<512xi32, #tpu.memory_space<vmem>>, vector<16xi32>,
      tpu.vector_store %arg6[%swap3A_148], %add3A_147 {strides = array<i32>} : memref<512xi32, #tpu.memory_space<vmem>>, vector<16xi32>,
      %add3A_150 = arith.constant 513 : i32
      %add3A_151 = vector.broadcast %add3A_150 : i32 to vector<16xi32>
      %add3A_152 = arith.addi %add3A_137, %add3A_151 : vector<16xi32>
      %swap3A_153 = arith.constant 400 : index
      %swap3A_154 = tpu.vector_load %arg6[%swap3A_153] {strides = array<i32>} : memref<512xi32, #tpu.memory_space<vmem>>, vector<16xi32>,
      tpu.vector_store %arg6[%swap3A_153], %add3A_152 {strides = array<i32>} : memref<512xi32, #tpu.memory_space<vmem>>, vector<16xi32>,
      %mul3A_155 = arith.constant 2 : i32
      %mul3A_156 = vector.broadcast %mul3A_155 : i32 to vector<16xi32>
      %mul3A_157 = arith.muli %iota3A, %mul3A_156 : vector<16xi32>
      %add3A_158 = arith.constant 64 : i32
      %add3A_159 = vector.broadcast %add3A_158 : i32 to vector<16xi32>
      %add3A_160 = arith.addi %add3A_159, %mul3A_157 : vector<16xi32>
      %gather3A_161 = tpu.vector_load_idx %arg5[%add3A_160] : memref<256xf32, #tpu.memory_space<vmem>>[vector<16xi32>], vector<16xf32>,
      %mul3A_162 = arith.constant 5.110000e+02 : f32
      %mul3A_163 = vector.broadcast %mul3A_162 : f32 to vector<16xf32>
      %mul3A_164 = arith.mulf %gather3A_161, %mul3A_163 : vector<16xf32>
      %mul3A_165 = arith.constant 2 : i32
      %mul3A_166 = vector.broadcast %mul3A_165 : i32 to vector<16xi32>
      %mul3A_167 = arith.muli %iota3A, %mul3A_166 : vector<16xi32>
      %add3A_168 = arith.constant 64 : i32
      %add3A_169 = vector.broadcast %add3A_168 : i32 to vector<16xi32>
      %add3A_170 = arith.addi %add3A_169, %mul3A_167 : vector<16xi32>
      %add3A_171 = arith.constant 1 : i32
      %add3A_172 = vector.broadcast %add3A_171 : i32 to vector<16xi32>
      %add3A_173 = arith.addi %add3A_170, %add3A_172 : vector<16xi32>
      %gather3A_174 = tpu.vector_load_idx %arg5[%add3A_173] : memref<256xf32, #tpu.memory_space<vmem>>[vector<16xi32>], vector<16xf32>,
      %mul3A_175 = arith.constant 5.110000e+02 : f32
      %mul3A_176 = vector.broadcast %mul3A_175 : f32 to vector<16xf32>
      %mul3A_177 = arith.mulf %gather3A_174, %mul3A_176 : vector<16xf32>
      %convert_element_type3A_178 = arith.fptosi %mul3A_164 : vector<16xf32> to vector<16xi32>
      %convert_element_type3A_179 = arith.fptosi %mul3A_177 : vector<16xf32> to vector<16xi32>
      %convert_element_type3A_180 = arith.sitofp %convert_element_type3A_178 : vector<16xi32> to vector<16xf32>
      %sub3A_181 = arith.subf %mul3A_164, %convert_element_type3A_180 : vector<16xf32>
      %swap3A_182 = arith.constant 32 : index
      %swap3A_183 = tpu.vector_load %arg7[%swap3A_182] {strides = array<i32>} : memref<128xf32, #tpu.memory_space<vmem>>, vector<16xf32>,
      tpu.vector_store %arg7[%swap3A_182], %sub3A_181 {strides = array<i32>} : memref<128xf32, #tpu.memory_space<vmem>>, vector<16xf32>,
      %convert_element_type3A_184 = arith.sitofp %convert_element_type3A_179 : vector<16xi32> to vector<16xf32>
      %sub3A_185 = arith.subf %mul3A_177, %convert_element_type3A_184 : vector<16xf32>
      %swap3A_186 = arith.constant 32 : index
      %swap3A_187 = tpu.vector_load %arg8[%swap3A_186] {strides = array<i32>} : memref<128xf32, #tpu.memory_space<vmem>>, vector<16xf32>,
      tpu.vector_store %arg8[%swap3A_186], %sub3A_185 {strides = array<i32>} : memref<128xf32, #tpu.memory_space<vmem>>, vector<16xf32>,
      %mul3A_188 = arith.constant 512 : i32
      %mul3A_189 = vector.broadcast %mul3A_188 : i32 to vector<16xi32>
      %mul3A_190 = arith.muli %convert_element_type3A_178, %mul3A_189 : vector<16xi32>
      %add3A_191 = vector.broadcast %mul3A_34 : i32 to vector<16xi32>
      %add3A_192 = arith.addi %add3A_191, %mul3A_190 : vector<16xi32>
      %add3A_193 = arith.addi %add3A_192, %convert_element_type3A_179 : vector<16xi32>
      %swap3A_194 = arith.constant 32 : index
      %swap3A_195 = tpu.vector_load %arg6[%swap3A_194] {strides = array<i32>} : memref<512xi32, #tpu.memory_space<vmem>>, vector<16xi32>,
      tpu.vector_store %arg6[%swap3A_194], %add3A_193 {strides = array<i32>} : memref<512xi32, #tpu.memory_space<vmem>>, vector<16xi32>,
      %add3A_196 = arith.constant 1 : i32
      %add3A_197 = vector.broadcast %add3A_196 : i32 to vector<16xi32>
      %add3A_198 = arith.addi %add3A_193, %add3A_197 : vector<16xi32>
      %swap3A_199 = arith.constant 160 : index
      %swap3A_200 = tpu.vector_load %arg6[%swap3A_199] {strides = array<i32>} : memref<512xi32, #tpu.memory_space<vmem>>, vector<16xi32>,
      tpu.vector_store %arg6[%swap3A_199], %add3A_198 {strides = array<i32>} : memref<512xi32, #tpu.memory_space<vmem>>, vector<16xi32>,
      %add3A_201 = arith.constant 512 : i32
      %add3A_202 = vector.broadcast %add3A_201 : i32 to vector<16xi32>
      %add3A_203 = arith.addi %add3A_193, %add3A_202 : vector<16xi32>
      %swap3A_204 = arith.constant 288 : index
      %swap3A_205 = tpu.vector_load %arg6[%swap3A_204] {strides = array<i32>} : memref<512xi32, #tpu.memory_space<vmem>>, vector<16xi32>,
      tpu.vector_store %arg6[%swap3A_204], %add3A_203 {strides = array<i32>} : memref<512xi32, #tpu.memory_space<vmem>>, vector<16xi32>,
      %add3A_206 = arith.constant 513 : i32
      %add3A_207 = vector.broadcast %add3A_206 : i32 to vector<16xi32>
      %add3A_208 = arith.addi %add3A_193, %add3A_207 : vector<16xi32>
      %swap3A_209 = arith.constant 416 : index
      %swap3A_210 = tpu.vector_load %arg6[%swap3A_209] {strides = array<i32>} : memref<512xi32, #tpu.memory_space<vmem>>, vector<16xi32>,
      tpu.vector_store %arg6[%swap3A_209], %add3A_208 {strides = array<i32>} : memref<512xi32, #tpu.memory_space<vmem>>, vector<16xi32>,
      %mul3A_211 = arith.constant 2 : i32
      %mul3A_212 = vector.broadcast %mul3A_211 : i32 to vector<16xi32>
      %mul3A_213 = arith.muli %iota3A, %mul3A_212 : vector<16xi32>
      %add3A_214 = arith.constant 96 : i32
      %add3A_215 = vector.broadcast %add3A_214 : i32 to vector<16xi32>
      %add3A_216 = arith.addi %add3A_215, %mul3A_213 : vector<16xi32>
      %gather3A_217 = tpu.vector_load_idx %arg5[%add3A_216] : memref<256xf32, #tpu.memory_space<vmem>>[vector<16xi32>], vector<16xf32>,
      %mul3A_218 = arith.constant 5.110000e+02 : f32
      %mul3A_219 = vector.broadcast %mul3A_218 : f32 to vector<16xf32>
      %mul3A_220 = arith.mulf %gather3A_217, %mul3A_219 : vector<16xf32>
      %mul3A_221 = arith.constant 2 : i32
      %mul3A_222 = vector.broadcast %mul3A_221 : i32 to vector<16xi32>
      %mul3A_223 = arith.muli %iota3A, %mul3A_222 : vector<16xi32>
      %add3A_224 = arith.constant 96 : i32
      %add3A_225 = vector.broadcast %add3A_224 : i32 to vector<16xi32>
      %add3A_226 = arith.addi %add3A_225, %mul3A_223 : vector<16xi32>
      %add3A_227 = arith.constant 1 : i32
      %add3A_228 = vector.broadcast %add3A_227 : i32 to vector<16xi32>
      %add3A_229 = arith.addi %add3A_226, %add3A_228 : vector<16xi32>
      %gather3A_230 = tpu.vector_load_idx %arg5[%add3A_229] : memref<256xf32, #tpu.memory_space<vmem>>[vector<16xi32>], vector<16xf32>,
      %mul3A_231 = arith.constant 5.110000e+02 : f32
      %mul3A_232 = vector.broadcast %mul3A_231 : f32 to vector<16xf32>
      %mul3A_233 = arith.mulf %gather3A_230, %mul3A_232 : vector<16xf32>
      %convert_element_type3A_234 = arith.fptosi %mul3A_220 : vector<16xf32> to vector<16xi32>
      %convert_element_type3A_235 = arith.fptosi %mul3A_233 : vector<16xf32> to vector<16xi32>
      %convert_element_type3A_236 = arith.sitofp %convert_element_type3A_234 : vector<16xi32> to vector<16xf32>
      %sub3A_237 = arith.subf %mul3A_220, %convert_element_type3A_236 : vector<16xf32>
      %swap3A_238 = arith.constant 48 : index
      %swap3A_239 = tpu.vector_load %arg7[%swap3A_238] {strides = array<i32>} : memref<128xf32, #tpu.memory_space<vmem>>, vector<16xf32>,
      tpu.vector_store %arg7[%swap3A_238], %sub3A_237 {strides = array<i32>} : memref<128xf32, #tpu.memory_space<vmem>>, vector<16xf32>,
      %convert_element_type3A_240 = arith.sitofp %convert_element_type3A_235 : vector<16xi32> to vector<16xf32>
      %sub3A_241 = arith.subf %mul3A_233, %convert_element_type3A_240 : vector<16xf32>
      %swap3A_242 = arith.constant 48 : index
      %swap3A_243 = tpu.vector_load %arg8[%swap3A_242] {strides = array<i32>} : memref<128xf32, #tpu.memory_space<vmem>>, vector<16xf32>,
      tpu.vector_store %arg8[%swap3A_242], %sub3A_241 {strides = array<i32>} : memref<128xf32, #tpu.memory_space<vmem>>, vector<16xf32>,
      %mul3A_244 = arith.constant 512 : i32
      %mul3A_245 = vector.broadcast %mul3A_244 : i32 to vector<16xi32>
      %mul3A_246 = arith.muli %convert_element_type3A_234, %mul3A_245 : vector<16xi32>
      %add3A_247 = vector.broadcast %mul3A_34 : i32 to vector<16xi32>
      %add3A_248 = arith.addi %add3A_247, %mul3A_246 : vector<16xi32>
      %add3A_249 = arith.addi %add3A_248, %convert_element_type3A_235 : vector<16xi32>
      %swap3A_250 = arith.constant 48 : index
      %swap3A_251 = tpu.vector_load %arg6[%swap3A_250] {strides = array<i32>} : memref<512xi32, #tpu.memory_space<vmem>>, vector<16xi32>,
      tpu.vector_store %arg6[%swap3A_250], %add3A_249 {strides = array<i32>} : memref<512xi32, #tpu.memory_space<vmem>>, vector<16xi32>,
      %add3A_252 = arith.constant 1 : i32
      %add3A_253 = vector.broadcast %add3A_252 : i32 to vector<16xi32>
      %add3A_254 = arith.addi %add3A_249, %add3A_253 : vector<16xi32>
      %swap3A_255 = arith.constant 176 : index
      %swap3A_256 = tpu.vector_load %arg6[%swap3A_255] {strides = array<i32>} : memref<512xi32, #tpu.memory_space<vmem>>, vector<16xi32>,
      tpu.vector_store %arg6[%swap3A_255], %add3A_254 {strides = array<i32>} : memref<512xi32, #tpu.memory_space<vmem>>, vector<16xi32>,
      %add3A_257 = arith.constant 512 : i32
      %add3A_258 = vector.broadcast %add3A_257 : i32 to vector<16xi32>
      %add3A_259 = arith.addi %add3A_249, %add3A_258 : vector<16xi32>
      %swap3A_260 = arith.constant 304 : index
      %swap3A_261 = tpu.vector_load %arg6[%swap3A_260] {strides = array<i32>} : memref<512xi32, #tpu.memory_space<vmem>>, vector<16xi32>,
      tpu.vector_store %arg6[%swap3A_260], %add3A_259 {strides = array<i32>} : memref<512xi32, #tpu.memory_space<vmem>>, vector<16xi32>,
      %add3A_262 = arith.constant 513 : i32
      %add3A_263 = vector.broadcast %add3A_262 : i32 to vector<16xi32>
      %add3A_264 = arith.addi %add3A_249, %add3A_263 : vector<16xi32>
      %swap3A_265 = arith.constant 432 : index
      %swap3A_266 = tpu.vector_load %arg6[%swap3A_265] {strides = array<i32>} : memref<512xi32, #tpu.memory_space<vmem>>, vector<16xi32>,
      tpu.vector_store %arg6[%swap3A_265], %add3A_264 {strides = array<i32>} : memref<512xi32, #tpu.memory_space<vmem>>, vector<16xi32>,
      %mul3A_267 = arith.constant 2 : i32
      %mul3A_268 = vector.broadcast %mul3A_267 : i32 to vector<16xi32>
      %mul3A_269 = arith.muli %iota3A, %mul3A_268 : vector<16xi32>
      %add3A_270 = arith.constant 128 : i32
      %add3A_271 = vector.broadcast %add3A_270 : i32 to vector<16xi32>
      %add3A_272 = arith.addi %add3A_271, %mul3A_269 : vector<16xi32>
      %gather3A_273 = tpu.vector_load_idx %arg5[%add3A_272] : memref<256xf32, #tpu.memory_space<vmem>>[vector<16xi32>], vector<16xf32>,
      %mul3A_274 = arith.constant 5.110000e+02 : f32
      %mul3A_275 = vector.broadcast %mul3A_274 : f32 to vector<16xf32>
      %mul3A_276 = arith.mulf %gather3A_273, %mul3A_275 : vector<16xf32>
      %mul3A_277 = arith.constant 2 : i32
      %mul3A_278 = vector.broadcast %mul3A_277 : i32 to vector<16xi32>
      %mul3A_279 = arith.muli %iota3A, %mul3A_278 : vector<16xi32>
      %add3A_280 = arith.constant 128 : i32
      %add3A_281 = vector.broadcast %add3A_280 : i32 to vector<16xi32>
      %add3A_282 = arith.addi %add3A_281, %mul3A_279 : vector<16xi32>
      %add3A_283 = arith.constant 1 : i32
      %add3A_284 = vector.broadcast %add3A_283 : i32 to vector<16xi32>
      %add3A_285 = arith.addi %add3A_282, %add3A_284 : vector<16xi32>
      %gather3A_286 = tpu.vector_load_idx %arg5[%add3A_285] : memref<256xf32, #tpu.memory_space<vmem>>[vector<16xi32>], vector<16xf32>,
      %mul3A_287 = arith.constant 5.110000e+02 : f32
      %mul3A_288 = vector.broadcast %mul3A_287 : f32 to vector<16xf32>
      %mul3A_289 = arith.mulf %gather3A_286, %mul3A_288 : vector<16xf32>
      %convert_element_type3A_290 = arith.fptosi %mul3A_276 : vector<16xf32> to vector<16xi32>
      %convert_element_type3A_291 = arith.fptosi %mul3A_289 : vector<16xf32> to vector<16xi32>
      %convert_element_type3A_292 = arith.sitofp %convert_element_type3A_290 : vector<16xi32> to vector<16xf32>
      %sub3A_293 = arith.subf %mul3A_276, %convert_element_type3A_292 : vector<16xf32>
      %swap3A_294 = arith.constant 64 : index
      %swap3A_295 = tpu.vector_load %arg7[%swap3A_294] {strides = array<i32>} : memref<128xf32, #tpu.memory_space<vmem>>, vector<16xf32>,
      tpu.vector_store %arg7[%swap3A_294], %sub3A_293 {strides = array<i32>} : memref<128xf32, #tpu.memory_space<vmem>>, vector<16xf32>,
      %convert_element_type3A_296 = arith.sitofp %convert_element_type3A_291 : vector<16xi32> to vector<16xf32>
      %sub3A_297 = arith.subf %mul3A_289, %convert_element_type3A_296 : vector<16xf32>
      %swap3A_298 = arith.constant 64 : index
      %swap3A_299 = tpu.vector_load %arg8[%swap3A_298] {strides = array<i32>} : memref<128xf32, #tpu.memory_space<vmem>>, vector<16xf32>,
      tpu.vector_store %arg8[%swap3A_298], %sub3A_297 {strides = array<i32>} : memref<128xf32, #tpu.memory_space<vmem>>, vector<16xf32>,
      %mul3A_300 = arith.constant 512 : i32
      %mul3A_301 = vector.broadcast %mul3A_300 : i32 to vector<16xi32>
      %mul3A_302 = arith.muli %convert_element_type3A_290, %mul3A_301 : vector<16xi32>
      %add3A_303 = vector.broadcast %mul3A_34 : i32 to vector<16xi32>
      %add3A_304 = arith.addi %add3A_303, %mul3A_302 : vector<16xi32>
      %add3A_305 = arith.addi %add3A_304, %convert_element_type3A_291 : vector<16xi32>
      %swap3A_306 = arith.constant 64 : index
      %swap3A_307 = tpu.vector_load %arg6[%swap3A_306] {strides = array<i32>} : memref<512xi32, #tpu.memory_space<vmem>>, vector<16xi32>,
      tpu.vector_store %arg6[%swap3A_306], %add3A_305 {strides = array<i32>} : memref<512xi32, #tpu.memory_space<vmem>>, vector<16xi32>,
      %add3A_308 = arith.constant 1 : i32
      %add3A_309 = vector.broadcast %add3A_308 : i32 to vector<16xi32>
      %add3A_310 = arith.addi %add3A_305, %add3A_309 : vector<16xi32>
      %swap3A_311 = arith.constant 192 : index
      %swap3A_312 = tpu.vector_load %arg6[%swap3A_311] {strides = array<i32>} : memref<512xi32, #tpu.memory_space<vmem>>, vector<16xi32>,
      tpu.vector_store %arg6[%swap3A_311], %add3A_310 {strides = array<i32>} : memref<512xi32, #tpu.memory_space<vmem>>, vector<16xi32>,
      %add3A_313 = arith.constant 512 : i32
      %add3A_314 = vector.broadcast %add3A_313 : i32 to vector<16xi32>
      %add3A_315 = arith.addi %add3A_305, %add3A_314 : vector<16xi32>
      %swap3A_316 = arith.constant 320 : index
      %swap3A_317 = tpu.vector_load %arg6[%swap3A_316] {strides = array<i32>} : memref<512xi32, #tpu.memory_space<vmem>>, vector<16xi32>,
      tpu.vector_store %arg6[%swap3A_316], %add3A_315 {strides = array<i32>} : memref<512xi32, #tpu.memory_space<vmem>>, vector<16xi32>,
      %add3A_318 = arith.constant 513 : i32
      %add3A_319 = vector.broadcast %add3A_318 : i32 to vector<16xi32>
      %add3A_320 = arith.addi %add3A_305, %add3A_319 : vector<16xi32>
      %swap3A_321 = arith.constant 448 : index
      %swap3A_322 = tpu.vector_load %arg6[%swap3A_321] {strides = array<i32>} : memref<512xi32, #tpu.memory_space<vmem>>, vector<16xi32>,
      tpu.vector_store %arg6[%swap3A_321], %add3A_320 {strides = array<i32>} : memref<512xi32, #tpu.memory_space<vmem>>, vector<16xi32>,
      %mul3A_323 = arith.constant 2 : i32
      %mul3A_324 = vector.broadcast %mul3A_323 : i32 to vector<16xi32>
      %mul3A_325 = arith.muli %iota3A, %mul3A_324 : vector<16xi32>
      %add3A_326 = arith.constant 160 : i32
      %add3A_327 = vector.broadcast %add3A_326 : i32 to vector<16xi32>
      %add3A_328 = arith.addi %add3A_327, %mul3A_325 : vector<16xi32>
      %gather3A_329 = tpu.vector_load_idx %arg5[%add3A_328] : memref<256xf32, #tpu.memory_space<vmem>>[vector<16xi32>], vector<16xf32>,
      %mul3A_330 = arith.constant 5.110000e+02 : f32
      %mul3A_331 = vector.broadcast %mul3A_330 : f32 to vector<16xf32>
      %mul3A_332 = arith.mulf %gather3A_329, %mul3A_331 : vector<16xf32>
      %mul3A_333 = arith.constant 2 : i32
      %mul3A_334 = vector.broadcast %mul3A_333 : i32 to vector<16xi32>
      %mul3A_335 = arith.muli %iota3A, %mul3A_334 : vector<16xi32>
      %add3A_336 = arith.constant 160 : i32
      %add3A_337 = vector.broadcast %add3A_336 : i32 to vector<16xi32>
      %add3A_338 = arith.addi %add3A_337, %mul3A_335 : vector<16xi32>
      %add3A_339 = arith.constant 1 : i32
      %add3A_340 = vector.broadcast %add3A_339 : i32 to vector<16xi32>
      %add3A_341 = arith.addi %add3A_338, %add3A_340 : vector<16xi32>
      %gather3A_342 = tpu.vector_load_idx %arg5[%add3A_341] : memref<256xf32, #tpu.memory_space<vmem>>[vector<16xi32>], vector<16xf32>,
      %mul3A_343 = arith.constant 5.110000e+02 : f32
      %mul3A_344 = vector.broadcast %mul3A_343 : f32 to vector<16xf32>
      %mul3A_345 = arith.mulf %gather3A_342, %mul3A_344 : vector<16xf32>
      %convert_element_type3A_346 = arith.fptosi %mul3A_332 : vector<16xf32> to vector<16xi32>
      %convert_element_type3A_347 = arith.fptosi %mul3A_345 : vector<16xf32> to vector<16xi32>
      %convert_element_type3A_348 = arith.sitofp %convert_element_type3A_346 : vector<16xi32> to vector<16xf32>
      %sub3A_349 = arith.subf %mul3A_332, %convert_element_type3A_348 : vector<16xf32>
      %swap3A_350 = arith.constant 80 : index
      %swap3A_351 = tpu.vector_load %arg7[%swap3A_350] {strides = array<i32>} : memref<128xf32, #tpu.memory_space<vmem>>, vector<16xf32>,
      tpu.vector_store %arg7[%swap3A_350], %sub3A_349 {strides = array<i32>} : memref<128xf32, #tpu.memory_space<vmem>>, vector<16xf32>,
      %convert_element_type3A_352 = arith.sitofp %convert_element_type3A_347 : vector<16xi32> to vector<16xf32>
      %sub3A_353 = arith.subf %mul3A_345, %convert_element_type3A_352 : vector<16xf32>
      %swap3A_354 = arith.constant 80 : index
      %swap3A_355 = tpu.vector_load %arg8[%swap3A_354] {strides = array<i32>} : memref<128xf32, #tpu.memory_space<vmem>>, vector<16xf32>,
      tpu.vector_store %arg8[%swap3A_354], %sub3A_353 {strides = array<i32>} : memref<128xf32, #tpu.memory_space<vmem>>, vector<16xf32>,
      %mul3A_356 = arith.constant 512 : i32
      %mul3A_357 = vector.broadcast %mul3A_356 : i32 to vector<16xi32>
      %mul3A_358 = arith.muli %convert_element_type3A_346, %mul3A_357 : vector<16xi32>
      %add3A_359 = vector.broadcast %mul3A_34 : i32 to vector<16xi32>
      %add3A_360 = arith.addi %add3A_359, %mul3A_358 : vector<16xi32>
      %add3A_361 = arith.addi %add3A_360, %convert_element_type3A_347 : vector<16xi32>
      %swap3A_362 = arith.constant 80 : index
      %swap3A_363 = tpu.vector_load %arg6[%swap3A_362] {strides = array<i32>} : memref<512xi32, #tpu.memory_space<vmem>>, vector<16xi32>,
      tpu.vector_store %arg6[%swap3A_362], %add3A_361 {strides = array<i32>} : memref<512xi32, #tpu.memory_space<vmem>>, vector<16xi32>,
      %add3A_364 = arith.constant 1 : i32
      %add3A_365 = vector.broadcast %add3A_364 : i32 to vector<16xi32>
      %add3A_366 = arith.addi %add3A_361, %add3A_365 : vector<16xi32>
      %swap3A_367 = arith.constant 208 : index
      %swap3A_368 = tpu.vector_load %arg6[%swap3A_367] {strides = array<i32>} : memref<512xi32, #tpu.memory_space<vmem>>, vector<16xi32>,
      tpu.vector_store %arg6[%swap3A_367], %add3A_366 {strides = array<i32>} : memref<512xi32, #tpu.memory_space<vmem>>, vector<16xi32>,
      %add3A_369 = arith.constant 512 : i32
      %add3A_370 = vector.broadcast %add3A_369 : i32 to vector<16xi32>
      %add3A_371 = arith.addi %add3A_361, %add3A_370 : vector<16xi32>
      %swap3A_372 = arith.constant 336 : index
      %swap3A_373 = tpu.vector_load %arg6[%swap3A_372] {strides = array<i32>} : memref<512xi32, #tpu.memory_space<vmem>>, vector<16xi32>,
      tpu.vector_store %arg6[%swap3A_372], %add3A_371 {strides = array<i32>} : memref<512xi32, #tpu.memory_space<vmem>>, vector<16xi32>,
      %add3A_374 = arith.constant 513 : i32
      %add3A_375 = vector.broadcast %add3A_374 : i32 to vector<16xi32>
      %add3A_376 = arith.addi %add3A_361, %add3A_375 : vector<16xi32>
      %swap3A_377 = arith.constant 464 : index
      %swap3A_378 = tpu.vector_load %arg6[%swap3A_377] {strides = array<i32>} : memref<512xi32, #tpu.memory_space<vmem>>, vector<16xi32>,
      tpu.vector_store %arg6[%swap3A_377], %add3A_376 {strides = array<i32>} : memref<512xi32, #tpu.memory_space<vmem>>, vector<16xi32>,
      %mul3A_379 = arith.constant 2 : i32
      %mul3A_380 = vector.broadcast %mul3A_379 : i32 to vector<16xi32>
      %mul3A_381 = arith.muli %iota3A, %mul3A_380 : vector<16xi32>
      %add3A_382 = arith.constant 192 : i32
      %add3A_383 = vector.broadcast %add3A_382 : i32 to vector<16xi32>
      %add3A_384 = arith.addi %add3A_383, %mul3A_381 : vector<16xi32>
      %gather3A_385 = tpu.vector_load_idx %arg5[%add3A_384] : memref<256xf32, #tpu.memory_space<vmem>>[vector<16xi32>], vector<16xf32>,
      %mul3A_386 = arith.constant 5.110000e+02 : f32
      %mul3A_387 = vector.broadcast %mul3A_386 : f32 to vector<16xf32>
      %mul3A_388 = arith.mulf %gather3A_385, %mul3A_387 : vector<16xf32>
      %mul3A_389 = arith.constant 2 : i32
      %mul3A_390 = vector.broadcast %mul3A_389 : i32 to vector<16xi32>
      %mul3A_391 = arith.muli %iota3A, %mul3A_390 : vector<16xi32>
      %add3A_392 = arith.constant 192 : i32
      %add3A_393 = vector.broadcast %add3A_392 : i32 to vector<16xi32>
      %add3A_394 = arith.addi %add3A_393, %mul3A_391 : vector<16xi32>
      %add3A_395 = arith.constant 1 : i32
      %add3A_396 = vector.broadcast %add3A_395 : i32 to vector<16xi32>
      %add3A_397 = arith.addi %add3A_394, %add3A_396 : vector<16xi32>
      %gather3A_398 = tpu.vector_load_idx %arg5[%add3A_397] : memref<256xf32, #tpu.memory_space<vmem>>[vector<16xi32>], vector<16xf32>,
      %mul3A_399 = arith.constant 5.110000e+02 : f32
      %mul3A_400 = vector.broadcast %mul3A_399 : f32 to vector<16xf32>
      %mul3A_401 = arith.mulf %gather3A_398, %mul3A_400 : vector<16xf32>
      %convert_element_type3A_402 = arith.fptosi %mul3A_388 : vector<16xf32> to vector<16xi32>
      %convert_element_type3A_403 = arith.fptosi %mul3A_401 : vector<16xf32> to vector<16xi32>
      %convert_element_type3A_404 = arith.sitofp %convert_element_type3A_402 : vector<16xi32> to vector<16xf32>
      %sub3A_405 = arith.subf %mul3A_388, %convert_element_type3A_404 : vector<16xf32>
      %swap3A_406 = arith.constant 96 : index
      %swap3A_407 = tpu.vector_load %arg7[%swap3A_406] {strides = array<i32>} : memref<128xf32, #tpu.memory_space<vmem>>, vector<16xf32>,
      tpu.vector_store %arg7[%swap3A_406], %sub3A_405 {strides = array<i32>} : memref<128xf32, #tpu.memory_space<vmem>>, vector<16xf32>,
      %convert_element_type3A_408 = arith.sitofp %convert_element_type3A_403 : vector<16xi32> to vector<16xf32>
      %sub3A_409 = arith.subf %mul3A_401, %convert_element_type3A_408 : vector<16xf32>
      %swap3A_410 = arith.constant 96 : index
      %swap3A_411 = tpu.vector_load %arg8[%swap3A_410] {strides = array<i32>} : memref<128xf32, #tpu.memory_space<vmem>>, vector<16xf32>,
      tpu.vector_store %arg8[%swap3A_410], %sub3A_409 {strides = array<i32>} : memref<128xf32, #tpu.memory_space<vmem>>, vector<16xf32>,
      %mul3A_412 = arith.constant 512 : i32
      %mul3A_413 = vector.broadcast %mul3A_412 : i32 to vector<16xi32>
      %mul3A_414 = arith.muli %convert_element_type3A_402, %mul3A_413 : vector<16xi32>
      %add3A_415 = vector.broadcast %mul3A_34 : i32 to vector<16xi32>
      %add3A_416 = arith.addi %add3A_415, %mul3A_414 : vector<16xi32>
      %add3A_417 = arith.addi %add3A_416, %convert_element_type3A_403 : vector<16xi32>
      %swap3A_418 = arith.constant 96 : index
      %swap3A_419 = tpu.vector_load %arg6[%swap3A_418] {strides = array<i32>} : memref<512xi32, #tpu.memory_space<vmem>>, vector<16xi32>,
      tpu.vector_store %arg6[%swap3A_418], %add3A_417 {strides = array<i32>} : memref<512xi32, #tpu.memory_space<vmem>>, vector<16xi32>,
      %add3A_420 = arith.constant 1 : i32
      %add3A_421 = vector.broadcast %add3A_420 : i32 to vector<16xi32>
      %add3A_422 = arith.addi %add3A_417, %add3A_421 : vector<16xi32>
      %swap3A_423 = arith.constant 224 : index
      %swap3A_424 = tpu.vector_load %arg6[%swap3A_423] {strides = array<i32>} : memref<512xi32, #tpu.memory_space<vmem>>, vector<16xi32>,
      tpu.vector_store %arg6[%swap3A_423], %add3A_422 {strides = array<i32>} : memref<512xi32, #tpu.memory_space<vmem>>, vector<16xi32>,
      %add3A_425 = arith.constant 512 : i32
      %add3A_426 = vector.broadcast %add3A_425 : i32 to vector<16xi32>
      %add3A_427 = arith.addi %add3A_417, %add3A_426 : vector<16xi32>
      %swap3A_428 = arith.constant 352 : index
      %swap3A_429 = tpu.vector_load %arg6[%swap3A_428] {strides = array<i32>} : memref<512xi32, #tpu.memory_space<vmem>>, vector<16xi32>,
      tpu.vector_store %arg6[%swap3A_428], %add3A_427 {strides = array<i32>} : memref<512xi32, #tpu.memory_space<vmem>>, vector<16xi32>,
      %add3A_430 = arith.constant 513 : i32
      %add3A_431 = vector.broadcast %add3A_430 : i32 to vector<16xi32>
      %add3A_432 = arith.addi %add3A_417, %add3A_431 : vector<16xi32>
      %swap3A_433 = arith.constant 480 : index
      %swap3A_434 = tpu.vector_load %arg6[%swap3A_433] {strides = array<i32>} : memref<512xi32, #tpu.memory_space<vmem>>, vector<16xi32>,
      tpu.vector_store %arg6[%swap3A_433], %add3A_432 {strides = array<i32>} : memref<512xi32, #tpu.memory_space<vmem>>, vector<16xi32>,
      %mul3A_435 = arith.constant 2 : i32
      %mul3A_436 = vector.broadcast %mul3A_435 : i32 to vector<16xi32>
      %mul3A_437 = arith.muli %iota3A, %mul3A_436 : vector<16xi32>
      %add3A_438 = arith.constant 224 : i32
      %add3A_439 = vector.broadcast %add3A_438 : i32 to vector<16xi32>
      %add3A_440 = arith.addi %add3A_439, %mul3A_437 : vector<16xi32>
      %gather3A_441 = tpu.vector_load_idx %arg5[%add3A_440] : memref<256xf32, #tpu.memory_space<vmem>>[vector<16xi32>], vector<16xf32>,
      %mul3A_442 = arith.constant 5.110000e+02 : f32
      %mul3A_443 = vector.broadcast %mul3A_442 : f32 to vector<16xf32>
      %mul3A_444 = arith.mulf %gather3A_441, %mul3A_443 : vector<16xf32>
      %mul3A_445 = arith.constant 2 : i32
      %mul3A_446 = vector.broadcast %mul3A_445 : i32 to vector<16xi32>
      %mul3A_447 = arith.muli %iota3A, %mul3A_446 : vector<16xi32>
      %add3A_448 = arith.constant 224 : i32
      %add3A_449 = vector.broadcast %add3A_448 : i32 to vector<16xi32>
      %add3A_450 = arith.addi %add3A_449, %mul3A_447 : vector<16xi32>
      %add3A_451 = arith.constant 1 : i32
      %add3A_452 = vector.broadcast %add3A_451 : i32 to vector<16xi32>
      %add3A_453 = arith.addi %add3A_450, %add3A_452 : vector<16xi32>
      %gather3A_454 = tpu.vector_load_idx %arg5[%add3A_453] : memref<256xf32, #tpu.memory_space<vmem>>[vector<16xi32>], vector<16xf32>,
      %mul3A_455 = arith.constant 5.110000e+02 : f32
      %mul3A_456 = vector.broadcast %mul3A_455 : f32 to vector<16xf32>
      %mul3A_457 = arith.mulf %gather3A_454, %mul3A_456 : vector<16xf32>
      %convert_element_type3A_458 = arith.fptosi %mul3A_444 : vector<16xf32> to vector<16xi32>
      %convert_element_type3A_459 = arith.fptosi %mul3A_457 : vector<16xf32> to vector<16xi32>
      %convert_element_type3A_460 = arith.sitofp %convert_element_type3A_458 : vector<16xi32> to vector<16xf32>
      %sub3A_461 = arith.subf %mul3A_444, %convert_element_type3A_460 : vector<16xf32>
      %swap3A_462 = arith.constant 112 : index
      %swap3A_463 = tpu.vector_load %arg7[%swap3A_462] {strides = array<i32>} : memref<128xf32, #tpu.memory_space<vmem>>, vector<16xf32>,
      tpu.vector_store %arg7[%swap3A_462], %sub3A_461 {strides = array<i32>} : memref<128xf32, #tpu.memory_space<vmem>>, vector<16xf32>,
      %convert_element_type3A_464 = arith.sitofp %convert_element_type3A_459 : vector<16xi32> to vector<16xf32>
      %sub3A_465 = arith.subf %mul3A_457, %convert_element_type3A_464 : vector<16xf32>
      %swap3A_466 = arith.constant 112 : index
      %swap3A_467 = tpu.vector_load %arg8[%swap3A_466] {strides = array<i32>} : memref<128xf32, #tpu.memory_space<vmem>>, vector<16xf32>,
      tpu.vector_store %arg8[%swap3A_466], %sub3A_465 {strides = array<i32>} : memref<128xf32, #tpu.memory_space<vmem>>, vector<16xf32>,
      %mul3A_468 = arith.constant 512 : i32
      %mul3A_469 = vector.broadcast %mul3A_468 : i32 to vector<16xi32>
      %mul3A_470 = arith.muli %convert_element_type3A_458, %mul3A_469 : vector<16xi32>
      %add3A_471 = vector.broadcast %mul3A_34 : i32 to vector<16xi32>
      %add3A_472 = arith.addi %add3A_471, %mul3A_470 : vector<16xi32>
      %add3A_473 = arith.addi %add3A_472, %convert_element_type3A_459 : vector<16xi32>
      %swap3A_474 = arith.constant 112 : index
      %swap3A_475 = tpu.vector_load %arg6[%swap3A_474] {strides = array<i32>} : memref<512xi32, #tpu.memory_space<vmem>>, vector<16xi32>,
      tpu.vector_store %arg6[%swap3A_474], %add3A_473 {strides = array<i32>} : memref<512xi32, #tpu.memory_space<vmem>>, vector<16xi32>,
      %add3A_476 = arith.constant 1 : i32
      %add3A_477 = vector.broadcast %add3A_476 : i32 to vector<16xi32>
      %add3A_478 = arith.addi %add3A_473, %add3A_477 : vector<16xi32>
      %swap3A_479 = arith.constant 240 : index
      %swap3A_480 = tpu.vector_load %arg6[%swap3A_479] {strides = array<i32>} : memref<512xi32, #tpu.memory_space<vmem>>, vector<16xi32>,
      tpu.vector_store %arg6[%swap3A_479], %add3A_478 {strides = array<i32>} : memref<512xi32, #tpu.memory_space<vmem>>, vector<16xi32>,
      %add3A_481 = arith.constant 512 : i32
      %add3A_482 = vector.broadcast %add3A_481 : i32 to vector<16xi32>
      %add3A_483 = arith.addi %add3A_473, %add3A_482 : vector<16xi32>
      %swap3A_484 = arith.constant 368 : index
      %swap3A_485 = tpu.vector_load %arg6[%swap3A_484] {strides = array<i32>} : memref<512xi32, #tpu.memory_space<vmem>>, vector<16xi32>,
      tpu.vector_store %arg6[%swap3A_484], %add3A_483 {strides = array<i32>} : memref<512xi32, #tpu.memory_space<vmem>>, vector<16xi32>,
      %add3A_486 = arith.constant 513 : i32
      %add3A_487 = vector.broadcast %add3A_486 : i32 to vector<16xi32>
      %add3A_488 = arith.addi %add3A_473, %add3A_487 : vector<16xi32>
      %swap3A_489 = arith.constant 496 : index
      %swap3A_490 = tpu.vector_load %arg6[%swap3A_489] {strides = array<i32>} : memref<512xi32, #tpu.memory_space<vmem>>, vector<16xi32>,
      tpu.vector_store %arg6[%swap3A_489], %add3A_488 {strides = array<i32>} : memref<512xi32, #tpu.memory_space<vmem>>, vector<16xi32>,
      %dma_start3A = arith.constant 0 : i32
      %dma_start3A_491 = arith.constant 0 : i32
      %dma_start3A_492 = tpu.memref_slice %arg2[%dma_start3A, %dma_start3A_491] : memref<524288x128xf32, #tpu.memory_space<hbm>> -> memref<524288x128xf32, #tpu.memory_space<hbm>>
      tpu.enqueue_indirect_dma source(%dma_start3A_492 : memref<524288x128xf32, #tpu.memory_space<hbm>>) target(%arg9 : memref<512x128xf32, #tpu.memory_space<vmem>>) offsets(%arg6 : memref<512xi32, #tpu.memory_space<vmem>>) semaphore(%arg11 : memref<!tpu.dma_semaphore, #tpu.memory_space<semaphore_mem>>)
      %dma_wait3A = arith.constant 0 : i32
      %dma_wait3A_493 = arith.constant 0 : i32
      %dma_wait3A_494 = tpu.memref_slice %arg2[%dma_wait3A, %dma_wait3A_493] : memref<524288x128xf32, #tpu.memory_space<hbm>> -> memref<524288x128xf32, #tpu.memory_space<hbm>>
      tpu.wait_indirect_dma semaphore(%arg11 : memref<!tpu.dma_semaphore, #tpu.memory_space<semaphore_mem>>) src(%dma_wait3A_494 : memref<524288x128xf32, #tpu.memory_space<hbm>>) dst(%arg9 : memref<512x128xf32, #tpu.memory_space<vmem>>)
      %scan3A_495 = arith.constant 0 : i32
      %scan3A_496 = arith.constant 0 : i32
      %scan3A_497 = arith.constant 128 : i32
      %scan3A_498 = arith.addi %scan3A_496, %scan3A_497 : i32
      %scan3A_499 = arith.constant 2 : i32
      scf.for %scan3A_501 = %scan3A_496 to %scan3A_498 step %scan3A_499  : i32 {
        %broadcast_in_dim3A = vector.broadcast %scan3A_501 : i32 to vector<16xi32>
        %gather3A_502 = tpu.vector_load_idx %arg7[%broadcast_in_dim3A] : memref<128xf32, #tpu.memory_space<vmem>>[vector<16xi32>], vector<16xf32>,
        %gather3A_503 = tpu.vector_load_idx %arg8[%broadcast_in_dim3A] : memref<128xf32, #tpu.memory_space<vmem>>[vector<16xi32>], vector<16xf32>,
        %get3A = arith.index_cast %scan3A_501 : i32 to index
        %get3A_504 = arith.constant 0 : index
        %get3A_505 = tpu.vector_load %arg9[%get3A, %get3A_504] {strides = array<i32>} : memref<512x128xf32, #tpu.memory_space<vmem>>, vector<16xf32>,
        %add3A_506 = arith.constant 128 : i32
        %add3A_507 = arith.addi %add3A_506, %scan3A_501 : i32
        %get3A_508 = arith.index_cast %add3A_507 : i32 to index
        %get3A_509 = arith.constant 0 : index
        %get3A_510 = tpu.vector_load %arg9[%get3A_508, %get3A_509] {strides = array<i32>} : memref<512x128xf32, #tpu.memory_space<vmem>>, vector<16xf32>,
        %add3A_511 = arith.constant 256 : i32
        %add3A_512 = arith.addi %add3A_511, %scan3A_501 : i32
        %get3A_513 = arith.index_cast %add3A_512 : i32 to index
        %get3A_514 = arith.constant 0 : index
        %get3A_515 = tpu.vector_load %arg9[%get3A_513, %get3A_514] {strides = array<i32>} : memref<512x128xf32, #tpu.memory_space<vmem>>, vector<16xf32>,
        %add3A_516 = arith.constant 384 : i32
        %add3A_517 = arith.addi %add3A_516, %scan3A_501 : i32
        %get3A_518 = arith.index_cast %add3A_517 : i32 to index
        %get3A_519 = arith.constant 0 : index
        %get3A_520 = tpu.vector_load %arg9[%get3A_518, %get3A_519] {strides = array<i32>} : memref<512x128xf32, #tpu.memory_space<vmem>>, vector<16xf32>,
        %sub3A_521 = arith.subf %get3A_510, %get3A_505 : vector<16xf32>
        %mul3A_522 = arith.mulf %gather3A_503, %sub3A_521 : vector<16xf32>
        %add3A_523 = arith.addf %get3A_505, %mul3A_522 : vector<16xf32>
        %sub3A_524 = arith.subf %get3A_520, %get3A_515 : vector<16xf32>
        %mul3A_525 = arith.mulf %gather3A_503, %sub3A_524 : vector<16xf32>
        %add3A_526 = arith.addf %get3A_515, %mul3A_525 : vector<16xf32>
        %sub3A_527 = arith.subf %add3A_526, %add3A_523 : vector<16xf32>
        %mul3A_528 = arith.mulf %gather3A_502, %sub3A_527 : vector<16xf32>
        %add3A_529 = arith.addf %add3A_523, %mul3A_528 : vector<16xf32>
        %swap3A_530 = arith.index_cast %scan3A_501 : i32 to index
        %swap3A_531 = arith.constant 0 : index
        %swap3A_532 = tpu.vector_load %arg10[%swap3A_530, %swap3A_531] {strides = array<i32>} : memref<128x128xf32, #tpu.memory_space<vmem>>, vector<16xf32>,
        tpu.vector_store %arg10[%swap3A_530, %swap3A_531], %add3A_529 {strides = array<i32>} : memref<128x128xf32, #tpu.memory_space<vmem>>, vector<16xf32>,
        %get3A_533 = arith.index_cast %scan3A_501 : i32 to index
        %get3A_534 = arith.constant 16 : index
        %get3A_535 = tpu.vector_load %arg9[%get3A_533, %get3A_534] {strides = array<i32>} : memref<512x128xf32, #tpu.memory_space<vmem>>, vector<16xf32>,
        %add3A_536 = arith.constant 128 : i32
        %add3A_537 = arith.addi %add3A_536, %scan3A_501 : i32
        %get3A_538 = arith.index_cast %add3A_537 : i32 to index
        %get3A_539 = arith.constant 16 : index
        %get3A_540 = tpu.vector_load %arg9[%get3A_538, %get3A_539] {strides = array<i32>} : memref<512x128xf32, #tpu.memory_space<vmem>>, vector<16xf32>,
        %add3A_541 = arith.constant 256 : i32
        %add3A_542 = arith.addi %add3A_541, %scan3A_501 : i32
        %get3A_543 = arith.index_cast %add3A_542 : i32 to index
        %get3A_544 = arith.constant 16 : index
        %get3A_545 = tpu.vector_load %arg9[%get3A_543, %get3A_544] {strides = array<i32>} : memref<512x128xf32, #tpu.memory_space<vmem>>, vector<16xf32>,
        %add3A_546 = arith.constant 384 : i32
        %add3A_547 = arith.addi %add3A_546, %scan3A_501 : i32
        %get3A_548 = arith.index_cast %add3A_547 : i32 to index
        %get3A_549 = arith.constant 16 : index
        %get3A_550 = tpu.vector_load %arg9[%get3A_548, %get3A_549] {strides = array<i32>} : memref<512x128xf32, #tpu.memory_space<vmem>>, vector<16xf32>,
        %sub3A_551 = arith.subf %get3A_540, %get3A_535 : vector<16xf32>
        %mul3A_552 = arith.mulf %gather3A_503, %sub3A_551 : vector<16xf32>
        %add3A_553 = arith.addf %get3A_535, %mul3A_552 : vector<16xf32>
        %sub3A_554 = arith.subf %get3A_550, %get3A_545 : vector<16xf32>
        %mul3A_555 = arith.mulf %gather3A_503, %sub3A_554 : vector<16xf32>
        %add3A_556 = arith.addf %get3A_545, %mul3A_555 : vector<16xf32>
        %sub3A_557 = arith.subf %add3A_556, %add3A_553 : vector<16xf32>
        %mul3A_558 = arith.mulf %gather3A_502, %sub3A_557 : vector<16xf32>
        %add3A_559 = arith.addf %add3A_553, %mul3A_558 : vector<16xf32>
        %swap3A_560 = arith.index_cast %scan3A_501 : i32 to index
        %swap3A_561 = arith.constant 16 : index
        %swap3A_562 = tpu.vector_load %arg10[%swap3A_560, %swap3A_561] {strides = array<i32>} : memref<128x128xf32, #tpu.memory_space<vmem>>, vector<16xf32>,
        tpu.vector_store %arg10[%swap3A_560, %swap3A_561], %add3A_559 {strides = array<i32>} : memref<128x128xf32, #tpu.memory_space<vmem>>, vector<16xf32>,
        %get3A_563 = arith.index_cast %scan3A_501 : i32 to index
        %get3A_564 = arith.constant 32 : index
        %get3A_565 = tpu.vector_load %arg9[%get3A_563, %get3A_564] {strides = array<i32>} : memref<512x128xf32, #tpu.memory_space<vmem>>, vector<16xf32>,
        %add3A_566 = arith.constant 128 : i32
        %add3A_567 = arith.addi %add3A_566, %scan3A_501 : i32
        %get3A_568 = arith.index_cast %add3A_567 : i32 to index
        %get3A_569 = arith.constant 32 : index
        %get3A_570 = tpu.vector_load %arg9[%get3A_568, %get3A_569] {strides = array<i32>} : memref<512x128xf32, #tpu.memory_space<vmem>>, vector<16xf32>,
        %add3A_571 = arith.constant 256 : i32
        %add3A_572 = arith.addi %add3A_571, %scan3A_501 : i32
        %get3A_573 = arith.index_cast %add3A_572 : i32 to index
        %get3A_574 = arith.constant 32 : index
        %get3A_575 = tpu.vector_load %arg9[%get3A_573, %get3A_574] {strides = array<i32>} : memref<512x128xf32, #tpu.memory_space<vmem>>, vector<16xf32>,
        %add3A_576 = arith.constant 384 : i32
        %add3A_577 = arith.addi %add3A_576, %scan3A_501 : i32
        %get3A_578 = arith.index_cast %add3A_577 : i32 to index
        %get3A_579 = arith.constant 32 : index
        %get3A_580 = tpu.vector_load %arg9[%get3A_578, %get3A_579] {strides = array<i32>} : memref<512x128xf32, #tpu.memory_space<vmem>>, vector<16xf32>,
        %sub3A_581 = arith.subf %get3A_570, %get3A_565 : vector<16xf32>
        %mul3A_582 = arith.mulf %gather3A_503, %sub3A_581 : vector<16xf32>
        %add3A_583 = arith.addf %get3A_565, %mul3A_582 : vector<16xf32>
        %sub3A_584 = arith.subf %get3A_580, %get3A_575 : vector<16xf32>
        %mul3A_585 = arith.mulf %gather3A_503, %sub3A_584 : vector<16xf32>
        %add3A_586 = arith.addf %get3A_575, %mul3A_585 : vector<16xf32>
        %sub3A_587 = arith.subf %add3A_586, %add3A_583 : vector<16xf32>
        %mul3A_588 = arith.mulf %gather3A_502, %sub3A_587 : vector<16xf32>
        %add3A_589 = arith.addf %add3A_583, %mul3A_588 : vector<16xf32>
        %swap3A_590 = arith.index_cast %scan3A_501 : i32 to index
        %swap3A_591 = arith.constant 32 : index
        %swap3A_592 = tpu.vector_load %arg10[%swap3A_590, %swap3A_591] {strides = array<i32>} : memref<128x128xf32, #tpu.memory_space<vmem>>, vector<16xf32>,
        tpu.vector_store %arg10[%swap3A_590, %swap3A_591], %add3A_589 {strides = array<i32>} : memref<128x128xf32, #tpu.memory_space<vmem>>, vector<16xf32>,
        %get3A_593 = arith.index_cast %scan3A_501 : i32 to index
        %get3A_594 = arith.constant 48 : index
        %get3A_595 = tpu.vector_load %arg9[%get3A_593, %get3A_594] {strides = array<i32>} : memref<512x128xf32, #tpu.memory_space<vmem>>, vector<16xf32>,
        %add3A_596 = arith.constant 128 : i32
        %add3A_597 = arith.addi %add3A_596, %scan3A_501 : i32
        %get3A_598 = arith.index_cast %add3A_597 : i32 to index
        %get3A_599 = arith.constant 48 : index
        %get3A_600 = tpu.vector_load %arg9[%get3A_598, %get3A_599] {strides = array<i32>} : memref<512x128xf32, #tpu.memory_space<vmem>>, vector<16xf32>,
        %add3A_601 = arith.constant 256 : i32
        %add3A_602 = arith.addi %add3A_601, %scan3A_501 : i32
        %get3A_603 = arith.index_cast %add3A_602 : i32 to index
        %get3A_604 = arith.constant 48 : index
        %get3A_605 = tpu.vector_load %arg9[%get3A_603, %get3A_604] {strides = array<i32>} : memref<512x128xf32, #tpu.memory_space<vmem>>, vector<16xf32>,
        %add3A_606 = arith.constant 384 : i32
        %add3A_607 = arith.addi %add3A_606, %scan3A_501 : i32
        %get3A_608 = arith.index_cast %add3A_607 : i32 to index
        %get3A_609 = arith.constant 48 : index
        %get3A_610 = tpu.vector_load %arg9[%get3A_608, %get3A_609] {strides = array<i32>} : memref<512x128xf32, #tpu.memory_space<vmem>>, vector<16xf32>,
        %sub3A_611 = arith.subf %get3A_600, %get3A_595 : vector<16xf32>
        %mul3A_612 = arith.mulf %gather3A_503, %sub3A_611 : vector<16xf32>
        %add3A_613 = arith.addf %get3A_595, %mul3A_612 : vector<16xf32>
        %sub3A_614 = arith.subf %get3A_610, %get3A_605 : vector<16xf32>
        %mul3A_615 = arith.mulf %gather3A_503, %sub3A_614 : vector<16xf32>
        %add3A_616 = arith.addf %get3A_605, %mul3A_615 : vector<16xf32>
        %sub3A_617 = arith.subf %add3A_616, %add3A_613 : vector<16xf32>
        %mul3A_618 = arith.mulf %gather3A_502, %sub3A_617 : vector<16xf32>
        %add3A_619 = arith.addf %add3A_613, %mul3A_618 : vector<16xf32>
        %swap3A_620 = arith.index_cast %scan3A_501 : i32 to index
        %swap3A_621 = arith.constant 48 : index
        %swap3A_622 = tpu.vector_load %arg10[%swap3A_620, %swap3A_621] {strides = array<i32>} : memref<128x128xf32, #tpu.memory_space<vmem>>, vector<16xf32>,
        tpu.vector_store %arg10[%swap3A_620, %swap3A_621], %add3A_619 {strides = array<i32>} : memref<128x128xf32, #tpu.memory_space<vmem>>, vector<16xf32>,
        %get3A_623 = arith.index_cast %scan3A_501 : i32 to index
        %get3A_624 = arith.constant 64 : index
        %get3A_625 = tpu.vector_load %arg9[%get3A_623, %get3A_624] {strides = array<i32>} : memref<512x128xf32, #tpu.memory_space<vmem>>, vector<16xf32>,
        %add3A_626 = arith.constant 128 : i32
        %add3A_627 = arith.addi %add3A_626, %scan3A_501 : i32
        %get3A_628 = arith.index_cast %add3A_627 : i32 to index
        %get3A_629 = arith.constant 64 : index
        %get3A_630 = tpu.vector_load %arg9[%get3A_628, %get3A_629] {strides = array<i32>} : memref<512x128xf32, #tpu.memory_space<vmem>>, vector<16xf32>,
        %add3A_631 = arith.constant 256 : i32
        %add3A_632 = arith.addi %add3A_631, %scan3A_501 : i32
        %get3A_633 = arith.index_cast %add3A_632 : i32 to index
        %get3A_634 = arith.constant 64 : index
        %get3A_635 = tpu.vector_load %arg9[%get3A_633, %get3A_634] {strides = array<i32>} : memref<512x128xf32, #tpu.memory_space<vmem>>, vector<16xf32>,
        %add3A_636 = arith.constant 384 : i32
        %add3A_637 = arith.addi %add3A_636, %scan3A_501 : i32
        %get3A_638 = arith.index_cast %add3A_637 : i32 to index
        %get3A_639 = arith.constant 64 : index
        %get3A_640 = tpu.vector_load %arg9[%get3A_638, %get3A_639] {strides = array<i32>} : memref<512x128xf32, #tpu.memory_space<vmem>>, vector<16xf32>,
        %sub3A_641 = arith.subf %get3A_630, %get3A_625 : vector<16xf32>
        %mul3A_642 = arith.mulf %gather3A_503, %sub3A_641 : vector<16xf32>
        %add3A_643 = arith.addf %get3A_625, %mul3A_642 : vector<16xf32>
        %sub3A_644 = arith.subf %get3A_640, %get3A_635 : vector<16xf32>
        %mul3A_645 = arith.mulf %gather3A_503, %sub3A_644 : vector<16xf32>
        %add3A_646 = arith.addf %get3A_635, %mul3A_645 : vector<16xf32>
        %sub3A_647 = arith.subf %add3A_646, %add3A_643 : vector<16xf32>
        %mul3A_648 = arith.mulf %gather3A_502, %sub3A_647 : vector<16xf32>
        %add3A_649 = arith.addf %add3A_643, %mul3A_648 : vector<16xf32>
        %swap3A_650 = arith.index_cast %scan3A_501 : i32 to index
        %swap3A_651 = arith.constant 64 : index
        %swap3A_652 = tpu.vector_load %arg10[%swap3A_650, %swap3A_651] {strides = array<i32>} : memref<128x128xf32, #tpu.memory_space<vmem>>, vector<16xf32>,
        tpu.vector_store %arg10[%swap3A_650, %swap3A_651], %add3A_649 {strides = array<i32>} : memref<128x128xf32, #tpu.memory_space<vmem>>, vector<16xf32>,
        %get3A_653 = arith.index_cast %scan3A_501 : i32 to index
        %get3A_654 = arith.constant 80 : index
        %get3A_655 = tpu.vector_load %arg9[%get3A_653, %get3A_654] {strides = array<i32>} : memref<512x128xf32, #tpu.memory_space<vmem>>, vector<16xf32>,
        %add3A_656 = arith.constant 128 : i32
        %add3A_657 = arith.addi %add3A_656, %scan3A_501 : i32
        %get3A_658 = arith.index_cast %add3A_657 : i32 to index
        %get3A_659 = arith.constant 80 : index
        %get3A_660 = tpu.vector_load %arg9[%get3A_658, %get3A_659] {strides = array<i32>} : memref<512x128xf32, #tpu.memory_space<vmem>>, vector<16xf32>,
        %add3A_661 = arith.constant 256 : i32
        %add3A_662 = arith.addi %add3A_661, %scan3A_501 : i32
        %get3A_663 = arith.index_cast %add3A_662 : i32 to index
        %get3A_664 = arith.constant 80 : index
        %get3A_665 = tpu.vector_load %arg9[%get3A_663, %get3A_664] {strides = array<i32>} : memref<512x128xf32, #tpu.memory_space<vmem>>, vector<16xf32>,
        %add3A_666 = arith.constant 384 : i32
        %add3A_667 = arith.addi %add3A_666, %scan3A_501 : i32
        %get3A_668 = arith.index_cast %add3A_667 : i32 to index
        %get3A_669 = arith.constant 80 : index
        %get3A_670 = tpu.vector_load %arg9[%get3A_668, %get3A_669] {strides = array<i32>} : memref<512x128xf32, #tpu.memory_space<vmem>>, vector<16xf32>,
        %sub3A_671 = arith.subf %get3A_660, %get3A_655 : vector<16xf32>
        %mul3A_672 = arith.mulf %gather3A_503, %sub3A_671 : vector<16xf32>
        %add3A_673 = arith.addf %get3A_655, %mul3A_672 : vector<16xf32>
        %sub3A_674 = arith.subf %get3A_670, %get3A_665 : vector<16xf32>
        %mul3A_675 = arith.mulf %gather3A_503, %sub3A_674 : vector<16xf32>
        %add3A_676 = arith.addf %get3A_665, %mul3A_675 : vector<16xf32>
        %sub3A_677 = arith.subf %add3A_676, %add3A_673 : vector<16xf32>
        %mul3A_678 = arith.mulf %gather3A_502, %sub3A_677 : vector<16xf32>
        %add3A_679 = arith.addf %add3A_673, %mul3A_678 : vector<16xf32>
        %swap3A_680 = arith.index_cast %scan3A_501 : i32 to index
        %swap3A_681 = arith.constant 80 : index
        %swap3A_682 = tpu.vector_load %arg10[%swap3A_680, %swap3A_681] {strides = array<i32>} : memref<128x128xf32, #tpu.memory_space<vmem>>, vector<16xf32>,
        tpu.vector_store %arg10[%swap3A_680, %swap3A_681], %add3A_679 {strides = array<i32>} : memref<128x128xf32, #tpu.memory_space<vmem>>, vector<16xf32>,
        %get3A_683 = arith.index_cast %scan3A_501 : i32 to index
        %get3A_684 = arith.constant 96 : index
        %get3A_685 = tpu.vector_load %arg9[%get3A_683, %get3A_684] {strides = array<i32>} : memref<512x128xf32, #tpu.memory_space<vmem>>, vector<16xf32>,
        %add3A_686 = arith.constant 128 : i32
        %add3A_687 = arith.addi %add3A_686, %scan3A_501 : i32
        %get3A_688 = arith.index_cast %add3A_687 : i32 to index
        %get3A_689 = arith.constant 96 : index
        %get3A_690 = tpu.vector_load %arg9[%get3A_688, %get3A_689] {strides = array<i32>} : memref<512x128xf32, #tpu.memory_space<vmem>>, vector<16xf32>,
        %add3A_691 = arith.constant 256 : i32
        %add3A_692 = arith.addi %add3A_691, %scan3A_501 : i32
        %get3A_693 = arith.index_cast %add3A_692 : i32 to index
        %get3A_694 = arith.constant 96 : index
        %get3A_695 = tpu.vector_load %arg9[%get3A_693, %get3A_694] {strides = array<i32>} : memref<512x128xf32, #tpu.memory_space<vmem>>, vector<16xf32>,
        %add3A_696 = arith.constant 384 : i32
        %add3A_697 = arith.addi %add3A_696, %scan3A_501 : i32
        %get3A_698 = arith.index_cast %add3A_697 : i32 to index
        %get3A_699 = arith.constant 96 : index
        %get3A_700 = tpu.vector_load %arg9[%get3A_698, %get3A_699] {strides = array<i32>} : memref<512x128xf32, #tpu.memory_space<vmem>>, vector<16xf32>,
        %sub3A_701 = arith.subf %get3A_690, %get3A_685 : vector<16xf32>
        %mul3A_702 = arith.mulf %gather3A_503, %sub3A_701 : vector<16xf32>
        %add3A_703 = arith.addf %get3A_685, %mul3A_702 : vector<16xf32>
        %sub3A_704 = arith.subf %get3A_700, %get3A_695 : vector<16xf32>
        %mul3A_705 = arith.mulf %gather3A_503, %sub3A_704 : vector<16xf32>
        %add3A_706 = arith.addf %get3A_695, %mul3A_705 : vector<16xf32>
        %sub3A_707 = arith.subf %add3A_706, %add3A_703 : vector<16xf32>
        %mul3A_708 = arith.mulf %gather3A_502, %sub3A_707 : vector<16xf32>
        %add3A_709 = arith.addf %add3A_703, %mul3A_708 : vector<16xf32>
        %swap3A_710 = arith.index_cast %scan3A_501 : i32 to index
        %swap3A_711 = arith.constant 96 : index
        %swap3A_712 = tpu.vector_load %arg10[%swap3A_710, %swap3A_711] {strides = array<i32>} : memref<128x128xf32, #tpu.memory_space<vmem>>, vector<16xf32>,
        tpu.vector_store %arg10[%swap3A_710, %swap3A_711], %add3A_709 {strides = array<i32>} : memref<128x128xf32, #tpu.memory_space<vmem>>, vector<16xf32>,
        %get3A_713 = arith.index_cast %scan3A_501 : i32 to index
        %get3A_714 = arith.constant 112 : index
        %get3A_715 = tpu.vector_load %arg9[%get3A_713, %get3A_714] {strides = array<i32>} : memref<512x128xf32, #tpu.memory_space<vmem>>, vector<16xf32>,
        %add3A_716 = arith.constant 128 : i32
        %add3A_717 = arith.addi %add3A_716, %scan3A_501 : i32
        %get3A_718 = arith.index_cast %add3A_717 : i32 to index
        %get3A_719 = arith.constant 112 : index
        %get3A_720 = tpu.vector_load %arg9[%get3A_718, %get3A_719] {strides = array<i32>} : memref<512x128xf32, #tpu.memory_space<vmem>>, vector<16xf32>,
        %add3A_721 = arith.constant 256 : i32
        %add3A_722 = arith.addi %add3A_721, %scan3A_501 : i32
        %get3A_723 = arith.index_cast %add3A_722 : i32 to index
        %get3A_724 = arith.constant 112 : index
        %get3A_725 = tpu.vector_load %arg9[%get3A_723, %get3A_724] {strides = array<i32>} : memref<512x128xf32, #tpu.memory_space<vmem>>, vector<16xf32>,
        %add3A_726 = arith.constant 384 : i32
        %add3A_727 = arith.addi %add3A_726, %scan3A_501 : i32
        %get3A_728 = arith.index_cast %add3A_727 : i32 to index
        %get3A_729 = arith.constant 112 : index
        %get3A_730 = tpu.vector_load %arg9[%get3A_728, %get3A_729] {strides = array<i32>} : memref<512x128xf32, #tpu.memory_space<vmem>>, vector<16xf32>,
        %sub3A_731 = arith.subf %get3A_720, %get3A_715 : vector<16xf32>
        %mul3A_732 = arith.mulf %gather3A_503, %sub3A_731 : vector<16xf32>
        %add3A_733 = arith.addf %get3A_715, %mul3A_732 : vector<16xf32>
        %sub3A_734 = arith.subf %get3A_730, %get3A_725 : vector<16xf32>
        %mul3A_735 = arith.mulf %gather3A_503, %sub3A_734 : vector<16xf32>
        %add3A_736 = arith.addf %get3A_725, %mul3A_735 : vector<16xf32>
        %sub3A_737 = arith.subf %add3A_736, %add3A_733 : vector<16xf32>
        %mul3A_738 = arith.mulf %gather3A_502, %sub3A_737 : vector<16xf32>
        %add3A_739 = arith.addf %add3A_733, %mul3A_738 : vector<16xf32>
        %swap3A_740 = arith.index_cast %scan3A_501 : i32 to index
        %swap3A_741 = arith.constant 112 : index
        %swap3A_742 = tpu.vector_load %arg10[%swap3A_740, %swap3A_741] {strides = array<i32>} : memref<128x128xf32, #tpu.memory_space<vmem>>, vector<16xf32>,
        tpu.vector_store %arg10[%swap3A_740, %swap3A_741], %add3A_739 {strides = array<i32>} : memref<128x128xf32, #tpu.memory_space<vmem>>, vector<16xf32>,
        %scan3A_743 = arith.constant 1 : i32
        %scan3A_744 = arith.addi %scan3A_501, %scan3A_743 : i32
        %broadcast_in_dim3A_745 = vector.broadcast %scan3A_744 : i32 to vector<16xi32>
        %gather3A_746 = tpu.vector_load_idx %arg7[%broadcast_in_dim3A_745] : memref<128xf32, #tpu.memory_space<vmem>>[vector<16xi32>], vector<16xf32>,
        %gather3A_747 = tpu.vector_load_idx %arg8[%broadcast_in_dim3A_745] : memref<128xf32, #tpu.memory_space<vmem>>[vector<16xi32>], vector<16xf32>,
        %get3A_748 = arith.index_cast %scan3A_744 : i32 to index
        %get3A_749 = arith.constant 0 : index
        %get3A_750 = tpu.vector_load %arg9[%get3A_748, %get3A_749] {strides = array<i32>} : memref<512x128xf32, #tpu.memory_space<vmem>>, vector<16xf32>,
        %add3A_751 = arith.constant 128 : i32
        %add3A_752 = arith.addi %add3A_751, %scan3A_744 : i32
        %get3A_753 = arith.index_cast %add3A_752 : i32 to index
        %get3A_754 = arith.constant 0 : index
        %get3A_755 = tpu.vector_load %arg9[%get3A_753, %get3A_754] {strides = array<i32>} : memref<512x128xf32, #tpu.memory_space<vmem>>, vector<16xf32>,
        %add3A_756 = arith.constant 256 : i32
        %add3A_757 = arith.addi %add3A_756, %scan3A_744 : i32
        %get3A_758 = arith.index_cast %add3A_757 : i32 to index
        %get3A_759 = arith.constant 0 : index
        %get3A_760 = tpu.vector_load %arg9[%get3A_758, %get3A_759] {strides = array<i32>} : memref<512x128xf32, #tpu.memory_space<vmem>>, vector<16xf32>,
        %add3A_761 = arith.constant 384 : i32
        %add3A_762 = arith.addi %add3A_761, %scan3A_744 : i32
        %get3A_763 = arith.index_cast %add3A_762 : i32 to index
        %get3A_764 = arith.constant 0 : index
        %get3A_765 = tpu.vector_load %arg9[%get3A_763, %get3A_764] {strides = array<i32>} : memref<512x128xf32, #tpu.memory_space<vmem>>, vector<16xf32>,
        %sub3A_766 = arith.subf %get3A_755, %get3A_750 : vector<16xf32>
        %mul3A_767 = arith.mulf %gather3A_747, %sub3A_766 : vector<16xf32>
        %add3A_768 = arith.addf %get3A_750, %mul3A_767 : vector<16xf32>
        %sub3A_769 = arith.subf %get3A_765, %get3A_760 : vector<16xf32>
        %mul3A_770 = arith.mulf %gather3A_747, %sub3A_769 : vector<16xf32>
        %add3A_771 = arith.addf %get3A_760, %mul3A_770 : vector<16xf32>
        %sub3A_772 = arith.subf %add3A_771, %add3A_768 : vector<16xf32>
        %mul3A_773 = arith.mulf %gather3A_746, %sub3A_772 : vector<16xf32>
        %add3A_774 = arith.addf %add3A_768, %mul3A_773 : vector<16xf32>
        %swap3A_775 = arith.index_cast %scan3A_744 : i32 to index
        %swap3A_776 = arith.constant 0 : index
        %swap3A_777 = tpu.vector_load %arg10[%swap3A_775, %swap3A_776] {strides = array<i32>} : memref<128x128xf32, #tpu.memory_space<vmem>>, vector<16xf32>,
        tpu.vector_store %arg10[%swap3A_775, %swap3A_776], %add3A_774 {strides = array<i32>} : memref<128x128xf32, #tpu.memory_space<vmem>>, vector<16xf32>,
        %get3A_778 = arith.index_cast %scan3A_744 : i32 to index
        %get3A_779 = arith.constant 16 : index
        %get3A_780 = tpu.vector_load %arg9[%get3A_778, %get3A_779] {strides = array<i32>} : memref<512x128xf32, #tpu.memory_space<vmem>>, vector<16xf32>,
        %add3A_781 = arith.constant 128 : i32
        %add3A_782 = arith.addi %add3A_781, %scan3A_744 : i32
        %get3A_783 = arith.index_cast %add3A_782 : i32 to index
        %get3A_784 = arith.constant 16 : index
        %get3A_785 = tpu.vector_load %arg9[%get3A_783, %get3A_784] {strides = array<i32>} : memref<512x128xf32, #tpu.memory_space<vmem>>, vector<16xf32>,
        %add3A_786 = arith.constant 256 : i32
        %add3A_787 = arith.addi %add3A_786, %scan3A_744 : i32
        %get3A_788 = arith.index_cast %add3A_787 : i32 to index
        %get3A_789 = arith.constant 16 : index
        %get3A_790 = tpu.vector_load %arg9[%get3A_788, %get3A_789] {strides = array<i32>} : memref<512x128xf32, #tpu.memory_space<vmem>>, vector<16xf32>,
        %add3A_791 = arith.constant 384 : i32
        %add3A_792 = arith.addi %add3A_791, %scan3A_744 : i32
        %get3A_793 = arith.index_cast %add3A_792 : i32 to index
        %get3A_794 = arith.constant 16 : index
        %get3A_795 = tpu.vector_load %arg9[%get3A_793, %get3A_794] {strides = array<i32>} : memref<512x128xf32, #tpu.memory_space<vmem>>, vector<16xf32>,
        %sub3A_796 = arith.subf %get3A_785, %get3A_780 : vector<16xf32>
        %mul3A_797 = arith.mulf %gather3A_747, %sub3A_796 : vector<16xf32>
        %add3A_798 = arith.addf %get3A_780, %mul3A_797 : vector<16xf32>
        %sub3A_799 = arith.subf %get3A_795, %get3A_790 : vector<16xf32>
        %mul3A_800 = arith.mulf %gather3A_747, %sub3A_799 : vector<16xf32>
        %add3A_801 = arith.addf %get3A_790, %mul3A_800 : vector<16xf32>
        %sub3A_802 = arith.subf %add3A_801, %add3A_798 : vector<16xf32>
        %mul3A_803 = arith.mulf %gather3A_746, %sub3A_802 : vector<16xf32>
        %add3A_804 = arith.addf %add3A_798, %mul3A_803 : vector<16xf32>
        %swap3A_805 = arith.index_cast %scan3A_744 : i32 to index
        %swap3A_806 = arith.constant 16 : index
        %swap3A_807 = tpu.vector_load %arg10[%swap3A_805, %swap3A_806] {strides = array<i32>} : memref<128x128xf32, #tpu.memory_space<vmem>>, vector<16xf32>,
        tpu.vector_store %arg10[%swap3A_805, %swap3A_806], %add3A_804 {strides = array<i32>} : memref<128x128xf32, #tpu.memory_space<vmem>>, vector<16xf32>,
        %get3A_808 = arith.index_cast %scan3A_744 : i32 to index
        %get3A_809 = arith.constant 32 : index
        %get3A_810 = tpu.vector_load %arg9[%get3A_808, %get3A_809] {strides = array<i32>} : memref<512x128xf32, #tpu.memory_space<vmem>>, vector<16xf32>,
        %add3A_811 = arith.constant 128 : i32
        %add3A_812 = arith.addi %add3A_811, %scan3A_744 : i32
        %get3A_813 = arith.index_cast %add3A_812 : i32 to index
        %get3A_814 = arith.constant 32 : index
        %get3A_815 = tpu.vector_load %arg9[%get3A_813, %get3A_814] {strides = array<i32>} : memref<512x128xf32, #tpu.memory_space<vmem>>, vector<16xf32>,
        %add3A_816 = arith.constant 256 : i32
        %add3A_817 = arith.addi %add3A_816, %scan3A_744 : i32
        %get3A_818 = arith.index_cast %add3A_817 : i32 to index
        %get3A_819 = arith.constant 32 : index
        %get3A_820 = tpu.vector_load %arg9[%get3A_818, %get3A_819] {strides = array<i32>} : memref<512x128xf32, #tpu.memory_space<vmem>>, vector<16xf32>,
        %add3A_821 = arith.constant 384 : i32
        %add3A_822 = arith.addi %add3A_821, %scan3A_744 : i32
        %get3A_823 = arith.index_cast %add3A_822 : i32 to index
        %get3A_824 = arith.constant 32 : index
        %get3A_825 = tpu.vector_load %arg9[%get3A_823, %get3A_824] {strides = array<i32>} : memref<512x128xf32, #tpu.memory_space<vmem>>, vector<16xf32>,
        %sub3A_826 = arith.subf %get3A_815, %get3A_810 : vector<16xf32>
        %mul3A_827 = arith.mulf %gather3A_747, %sub3A_826 : vector<16xf32>
        %add3A_828 = arith.addf %get3A_810, %mul3A_827 : vector<16xf32>
        %sub3A_829 = arith.subf %get3A_825, %get3A_820 : vector<16xf32>
        %mul3A_830 = arith.mulf %gather3A_747, %sub3A_829 : vector<16xf32>
        %add3A_831 = arith.addf %get3A_820, %mul3A_830 : vector<16xf32>
        %sub3A_832 = arith.subf %add3A_831, %add3A_828 : vector<16xf32>
        %mul3A_833 = arith.mulf %gather3A_746, %sub3A_832 : vector<16xf32>
        %add3A_834 = arith.addf %add3A_828, %mul3A_833 : vector<16xf32>
        %swap3A_835 = arith.index_cast %scan3A_744 : i32 to index
        %swap3A_836 = arith.constant 32 : index
        %swap3A_837 = tpu.vector_load %arg10[%swap3A_835, %swap3A_836] {strides = array<i32>} : memref<128x128xf32, #tpu.memory_space<vmem>>, vector<16xf32>,
        tpu.vector_store %arg10[%swap3A_835, %swap3A_836], %add3A_834 {strides = array<i32>} : memref<128x128xf32, #tpu.memory_space<vmem>>, vector<16xf32>,
        %get3A_838 = arith.index_cast %scan3A_744 : i32 to index
        %get3A_839 = arith.constant 48 : index
        %get3A_840 = tpu.vector_load %arg9[%get3A_838, %get3A_839] {strides = array<i32>} : memref<512x128xf32, #tpu.memory_space<vmem>>, vector<16xf32>,
        %add3A_841 = arith.constant 128 : i32
        %add3A_842 = arith.addi %add3A_841, %scan3A_744 : i32
        %get3A_843 = arith.index_cast %add3A_842 : i32 to index
        %get3A_844 = arith.constant 48 : index
        %get3A_845 = tpu.vector_load %arg9[%get3A_843, %get3A_844] {strides = array<i32>} : memref<512x128xf32, #tpu.memory_space<vmem>>, vector<16xf32>,
        %add3A_846 = arith.constant 256 : i32
        %add3A_847 = arith.addi %add3A_846, %scan3A_744 : i32
        %get3A_848 = arith.index_cast %add3A_847 : i32 to index
        %get3A_849 = arith.constant 48 : index
        %get3A_850 = tpu.vector_load %arg9[%get3A_848, %get3A_849] {strides = array<i32>} : memref<512x128xf32, #tpu.memory_space<vmem>>, vector<16xf32>,
        %add3A_851 = arith.constant 384 : i32
        %add3A_852 = arith.addi %add3A_851, %scan3A_744 : i32
        %get3A_853 = arith.index_cast %add3A_852 : i32 to index
        %get3A_854 = arith.constant 48 : index
        %get3A_855 = tpu.vector_load %arg9[%get3A_853, %get3A_854] {strides = array<i32>} : memref<512x128xf32, #tpu.memory_space<vmem>>, vector<16xf32>,
        %sub3A_856 = arith.subf %get3A_845, %get3A_840 : vector<16xf32>
        %mul3A_857 = arith.mulf %gather3A_747, %sub3A_856 : vector<16xf32>
        %add3A_858 = arith.addf %get3A_840, %mul3A_857 : vector<16xf32>
        %sub3A_859 = arith.subf %get3A_855, %get3A_850 : vector<16xf32>
        %mul3A_860 = arith.mulf %gather3A_747, %sub3A_859 : vector<16xf32>
        %add3A_861 = arith.addf %get3A_850, %mul3A_860 : vector<16xf32>
        %sub3A_862 = arith.subf %add3A_861, %add3A_858 : vector<16xf32>
        %mul3A_863 = arith.mulf %gather3A_746, %sub3A_862 : vector<16xf32>
        %add3A_864 = arith.addf %add3A_858, %mul3A_863 : vector<16xf32>
        %swap3A_865 = arith.index_cast %scan3A_744 : i32 to index
        %swap3A_866 = arith.constant 48 : index
        %swap3A_867 = tpu.vector_load %arg10[%swap3A_865, %swap3A_866] {strides = array<i32>} : memref<128x128xf32, #tpu.memory_space<vmem>>, vector<16xf32>,
        tpu.vector_store %arg10[%swap3A_865, %swap3A_866], %add3A_864 {strides = array<i32>} : memref<128x128xf32, #tpu.memory_space<vmem>>, vector<16xf32>,
        %get3A_868 = arith.index_cast %scan3A_744 : i32 to index
        %get3A_869 = arith.constant 64 : index
        %get3A_870 = tpu.vector_load %arg9[%get3A_868, %get3A_869] {strides = array<i32>} : memref<512x128xf32, #tpu.memory_space<vmem>>, vector<16xf32>,
        %add3A_871 = arith.constant 128 : i32
        %add3A_872 = arith.addi %add3A_871, %scan3A_744 : i32
        %get3A_873 = arith.index_cast %add3A_872 : i32 to index
        %get3A_874 = arith.constant 64 : index
        %get3A_875 = tpu.vector_load %arg9[%get3A_873, %get3A_874] {strides = array<i32>} : memref<512x128xf32, #tpu.memory_space<vmem>>, vector<16xf32>,
        %add3A_876 = arith.constant 256 : i32
        %add3A_877 = arith.addi %add3A_876, %scan3A_744 : i32
        %get3A_878 = arith.index_cast %add3A_877 : i32 to index
        %get3A_879 = arith.constant 64 : index
        %get3A_880 = tpu.vector_load %arg9[%get3A_878, %get3A_879] {strides = array<i32>} : memref<512x128xf32, #tpu.memory_space<vmem>>, vector<16xf32>,
        %add3A_881 = arith.constant 384 : i32
        %add3A_882 = arith.addi %add3A_881, %scan3A_744 : i32
        %get3A_883 = arith.index_cast %add3A_882 : i32 to index
        %get3A_884 = arith.constant 64 : index
        %get3A_885 = tpu.vector_load %arg9[%get3A_883, %get3A_884] {strides = array<i32>} : memref<512x128xf32, #tpu.memory_space<vmem>>, vector<16xf32>,
        %sub3A_886 = arith.subf %get3A_875, %get3A_870 : vector<16xf32>
        %mul3A_887 = arith.mulf %gather3A_747, %sub3A_886 : vector<16xf32>
        %add3A_888 = arith.addf %get3A_870, %mul3A_887 : vector<16xf32>
        %sub3A_889 = arith.subf %get3A_885, %get3A_880 : vector<16xf32>
        %mul3A_890 = arith.mulf %gather3A_747, %sub3A_889 : vector<16xf32>
        %add3A_891 = arith.addf %get3A_880, %mul3A_890 : vector<16xf32>
        %sub3A_892 = arith.subf %add3A_891, %add3A_888 : vector<16xf32>
        %mul3A_893 = arith.mulf %gather3A_746, %sub3A_892 : vector<16xf32>
        %add3A_894 = arith.addf %add3A_888, %mul3A_893 : vector<16xf32>
        %swap3A_895 = arith.index_cast %scan3A_744 : i32 to index
        %swap3A_896 = arith.constant 64 : index
        %swap3A_897 = tpu.vector_load %arg10[%swap3A_895, %swap3A_896] {strides = array<i32>} : memref<128x128xf32, #tpu.memory_space<vmem>>, vector<16xf32>,
        tpu.vector_store %arg10[%swap3A_895, %swap3A_896], %add3A_894 {strides = array<i32>} : memref<128x128xf32, #tpu.memory_space<vmem>>, vector<16xf32>,
        %get3A_898 = arith.index_cast %scan3A_744 : i32 to index
        %get3A_899 = arith.constant 80 : index
        %get3A_900 = tpu.vector_load %arg9[%get3A_898, %get3A_899] {strides = array<i32>} : memref<512x128xf32, #tpu.memory_space<vmem>>, vector<16xf32>,
        %add3A_901 = arith.constant 128 : i32
        %add3A_902 = arith.addi %add3A_901, %scan3A_744 : i32
        %get3A_903 = arith.index_cast %add3A_902 : i32 to index
        %get3A_904 = arith.constant 80 : index
        %get3A_905 = tpu.vector_load %arg9[%get3A_903, %get3A_904] {strides = array<i32>} : memref<512x128xf32, #tpu.memory_space<vmem>>, vector<16xf32>,
        %add3A_906 = arith.constant 256 : i32
        %add3A_907 = arith.addi %add3A_906, %scan3A_744 : i32
        %get3A_908 = arith.index_cast %add3A_907 : i32 to index
        %get3A_909 = arith.constant 80 : index
        %get3A_910 = tpu.vector_load %arg9[%get3A_908, %get3A_909] {strides = array<i32>} : memref<512x128xf32, #tpu.memory_space<vmem>>, vector<16xf32>,
        %add3A_911 = arith.constant 384 : i32
        %add3A_912 = arith.addi %add3A_911, %scan3A_744 : i32
        %get3A_913 = arith.index_cast %add3A_912 : i32 to index
        %get3A_914 = arith.constant 80 : index
        %get3A_915 = tpu.vector_load %arg9[%get3A_913, %get3A_914] {strides = array<i32>} : memref<512x128xf32, #tpu.memory_space<vmem>>, vector<16xf32>,
        %sub3A_916 = arith.subf %get3A_905, %get3A_900 : vector<16xf32>
        %mul3A_917 = arith.mulf %gather3A_747, %sub3A_916 : vector<16xf32>
        %add3A_918 = arith.addf %get3A_900, %mul3A_917 : vector<16xf32>
        %sub3A_919 = arith.subf %get3A_915, %get3A_910 : vector<16xf32>
        %mul3A_920 = arith.mulf %gather3A_747, %sub3A_919 : vector<16xf32>
        %add3A_921 = arith.addf %get3A_910, %mul3A_920 : vector<16xf32>
        %sub3A_922 = arith.subf %add3A_921, %add3A_918 : vector<16xf32>
        %mul3A_923 = arith.mulf %gather3A_746, %sub3A_922 : vector<16xf32>
        %add3A_924 = arith.addf %add3A_918, %mul3A_923 : vector<16xf32>
        %swap3A_925 = arith.index_cast %scan3A_744 : i32 to index
        %swap3A_926 = arith.constant 80 : index
        %swap3A_927 = tpu.vector_load %arg10[%swap3A_925, %swap3A_926] {strides = array<i32>} : memref<128x128xf32, #tpu.memory_space<vmem>>, vector<16xf32>,
        tpu.vector_store %arg10[%swap3A_925, %swap3A_926], %add3A_924 {strides = array<i32>} : memref<128x128xf32, #tpu.memory_space<vmem>>, vector<16xf32>,
        %get3A_928 = arith.index_cast %scan3A_744 : i32 to index
        %get3A_929 = arith.constant 96 : index
        %get3A_930 = tpu.vector_load %arg9[%get3A_928, %get3A_929] {strides = array<i32>} : memref<512x128xf32, #tpu.memory_space<vmem>>, vector<16xf32>,
        %add3A_931 = arith.constant 128 : i32
        %add3A_932 = arith.addi %add3A_931, %scan3A_744 : i32
        %get3A_933 = arith.index_cast %add3A_932 : i32 to index
        %get3A_934 = arith.constant 96 : index
        %get3A_935 = tpu.vector_load %arg9[%get3A_933, %get3A_934] {strides = array<i32>} : memref<512x128xf32, #tpu.memory_space<vmem>>, vector<16xf32>,
        %add3A_936 = arith.constant 256 : i32
        %add3A_937 = arith.addi %add3A_936, %scan3A_744 : i32
        %get3A_938 = arith.index_cast %add3A_937 : i32 to index
        %get3A_939 = arith.constant 96 : index
        %get3A_940 = tpu.vector_load %arg9[%get3A_938, %get3A_939] {strides = array<i32>} : memref<512x128xf32, #tpu.memory_space<vmem>>, vector<16xf32>,
        %add3A_941 = arith.constant 384 : i32
        %add3A_942 = arith.addi %add3A_941, %scan3A_744 : i32
        %get3A_943 = arith.index_cast %add3A_942 : i32 to index
        %get3A_944 = arith.constant 96 : index
        %get3A_945 = tpu.vector_load %arg9[%get3A_943, %get3A_944] {strides = array<i32>} : memref<512x128xf32, #tpu.memory_space<vmem>>, vector<16xf32>,
        %sub3A_946 = arith.subf %get3A_935, %get3A_930 : vector<16xf32>
        %mul3A_947 = arith.mulf %gather3A_747, %sub3A_946 : vector<16xf32>
        %add3A_948 = arith.addf %get3A_930, %mul3A_947 : vector<16xf32>
        %sub3A_949 = arith.subf %get3A_945, %get3A_940 : vector<16xf32>
        %mul3A_950 = arith.mulf %gather3A_747, %sub3A_949 : vector<16xf32>
        %add3A_951 = arith.addf %get3A_940, %mul3A_950 : vector<16xf32>
        %sub3A_952 = arith.subf %add3A_951, %add3A_948 : vector<16xf32>
        %mul3A_953 = arith.mulf %gather3A_746, %sub3A_952 : vector<16xf32>
        %add3A_954 = arith.addf %add3A_948, %mul3A_953 : vector<16xf32>
        %swap3A_955 = arith.index_cast %scan3A_744 : i32 to index
        %swap3A_956 = arith.constant 96 : index
        %swap3A_957 = tpu.vector_load %arg10[%swap3A_955, %swap3A_956] {strides = array<i32>} : memref<128x128xf32, #tpu.memory_space<vmem>>, vector<16xf32>,
        tpu.vector_store %arg10[%swap3A_955, %swap3A_956], %add3A_954 {strides = array<i32>} : memref<128x128xf32, #tpu.memory_space<vmem>>, vector<16xf32>,
        %get3A_958 = arith.index_cast %scan3A_744 : i32 to index
        %get3A_959 = arith.constant 112 : index
        %get3A_960 = tpu.vector_load %arg9[%get3A_958, %get3A_959] {strides = array<i32>} : memref<512x128xf32, #tpu.memory_space<vmem>>, vector<16xf32>,
        %add3A_961 = arith.constant 128 : i32
        %add3A_962 = arith.addi %add3A_961, %scan3A_744 : i32
        %get3A_963 = arith.index_cast %add3A_962 : i32 to index
        %get3A_964 = arith.constant 112 : index
        %get3A_965 = tpu.vector_load %arg9[%get3A_963, %get3A_964] {strides = array<i32>} : memref<512x128xf32, #tpu.memory_space<vmem>>, vector<16xf32>,
        %add3A_966 = arith.constant 256 : i32
        %add3A_967 = arith.addi %add3A_966, %scan3A_744 : i32
        %get3A_968 = arith.index_cast %add3A_967 : i32 to index
        %get3A_969 = arith.constant 112 : index
        %get3A_970 = tpu.vector_load %arg9[%get3A_968, %get3A_969] {strides = array<i32>} : memref<512x128xf32, #tpu.memory_space<vmem>>, vector<16xf32>,
        %add3A_971 = arith.constant 384 : i32
        %add3A_972 = arith.addi %add3A_971, %scan3A_744 : i32
        %get3A_973 = arith.index_cast %add3A_972 : i32 to index
        %get3A_974 = arith.constant 112 : index
        %get3A_975 = tpu.vector_load %arg9[%get3A_973, %get3A_974] {strides = array<i32>} : memref<512x128xf32, #tpu.memory_space<vmem>>, vector<16xf32>,
        %sub3A_976 = arith.subf %get3A_965, %get3A_960 : vector<16xf32>
        %mul3A_977 = arith.mulf %gather3A_747, %sub3A_976 : vector<16xf32>
        %add3A_978 = arith.addf %get3A_960, %mul3A_977 : vector<16xf32>
        %sub3A_979 = arith.subf %get3A_975, %get3A_970 : vector<16xf32>
        %mul3A_980 = arith.mulf %gather3A_747, %sub3A_979 : vector<16xf32>
        %add3A_981 = arith.addf %get3A_970, %mul3A_980 : vector<16xf32>
        %sub3A_982 = arith.subf %add3A_981, %add3A_978 : vector<16xf32>
        %mul3A_983 = arith.mulf %gather3A_746, %sub3A_982 : vector<16xf32>
        %add3A_984 = arith.addf %add3A_978, %mul3A_983 : vector<16xf32>
        %swap3A_985 = arith.index_cast %scan3A_744 : i32 to index
        %swap3A_986 = arith.constant 112 : index
        %swap3A_987 = tpu.vector_load %arg10[%swap3A_985, %swap3A_986] {strides = array<i32>} : memref<128x128xf32, #tpu.memory_space<vmem>>, vector<16xf32>,
        tpu.vector_store %arg10[%swap3A_985, %swap3A_986], %add3A_984 {strides = array<i32>} : memref<128x128xf32, #tpu.memory_space<vmem>>, vector<16xf32>,
      }
      %scan3A_500 = arith.constant 128 : i32
      "tpu.region"() ({
        %run_scoped3A = tpu.sem_alloc : memref<!tpu.dma_semaphore, #tpu.memory_space<semaphore_mem>>
        %dma_start3A_501 = arith.constant 0 : i32
        %dma_start3A_502 = tpu.memref_slice %arg4[%select_n3A, %add3A_43, %dma_start3A_501] : memref<2x131072x128xf32, #tpu.memory_space<hbm>> -> memref<1x128x128xf32, #tpu.memory_space<hbm>>
        %dma_start3A_503 = tpu.memref_squeeze %dma_start3A_502 : memref<1x128x128xf32, #tpu.memory_space<hbm>> -> memref<128x128xf32, #tpu.memory_space<hbm>>
        %dma_start3A_504 = arith.constant 0 : i32
        %dma_start3A_505 = tpu.memref_slice %arg4[%select_n3A, %add3A_43, %dma_start3A_504] : memref<2x131072x128xf32, #tpu.memory_space<hbm>> -> memref<1x128x128xf32, #tpu.memory_space<hbm>>
        %dma_start3A_506 = tpu.memref_squeeze %dma_start3A_505 : memref<1x128x128xf32, #tpu.memory_space<hbm>> -> memref<128x128xf32, #tpu.memory_space<hbm>>
        tpu.enqueue_dma source(%arg10 : memref<128x128xf32, #tpu.memory_space<vmem>>) target(%dma_start3A_506 : memref<128x128xf32, #tpu.memory_space<hbm>>) target_semaphore(%run_scoped3A : memref<!tpu.dma_semaphore, #tpu.memory_space<semaphore_mem>>)
        %dma_wait3A_507 = arith.constant 0 : i32
        %dma_wait3A_508 = tpu.memref_slice %arg4[%select_n3A, %add3A_43, %dma_wait3A_507] : memref<2x131072x128xf32, #tpu.memory_space<hbm>> -> memref<1x128x128xf32, #tpu.memory_space<hbm>>
        %dma_wait3A_509 = tpu.memref_squeeze %dma_wait3A_508 : memref<1x128x128xf32, #tpu.memory_space<hbm>> -> memref<128x128xf32, #tpu.memory_space<hbm>>
        %dma_wait3A_510 = arith.constant 0 : i32
        %dma_wait3A_511 = tpu.memref_slice %arg4[%select_n3A, %add3A_43, %dma_wait3A_510] : memref<2x131072x128xf32, #tpu.memory_space<hbm>> -> memref<1x128x128xf32, #tpu.memory_space<hbm>>
        %dma_wait3A_512 = tpu.memref_squeeze %dma_wait3A_511 : memref<1x128x128xf32, #tpu.memory_space<hbm>> -> memref<128x128xf32, #tpu.memory_space<hbm>>
        tpu.wait_dma2 semaphore(%run_scoped3A : memref<!tpu.dma_semaphore, #tpu.memory_space<semaphore_mem>>) src(%arg10 : memref<128x128xf32, #tpu.memory_space<vmem>>) dst(%dma_wait3A_512 : memref<128x128xf32, #tpu.memory_space<hbm>>)
        tpu.yield
      }) : () -> ()
    }
    %scan3A_39 = arith.constant 64 : i32
    return
  }
}

module attributes {stable_mosaic.version = 14 : i64} {
  func.func @_tr_in_body(%arg0: i32, %arg1: i32, %arg2: memref<1x128x4096xf32, #tpu.memory_space<vmem>>, %arg3: memref<4096x128xf32, #tpu.memory_space<vmem>>) attributes {dimension_semantics = [#tpu.dimension_semantics<arbitrary>, #tpu.dimension_semantics<arbitrary>], iteration_bounds = array<i64: 2, 64>, scalar_prefetch = 0 : i64, scratch_operands = 0 : i64, tpu.core_type = #tpu.core_type<tc>, window_params = [{transform_indices = @transform_0, window_bounds = array<i64: 1, 128, 4096>}, {transform_indices = @transform_1, window_bounds = array<i64: 4096, 128>}]} {
    %get3A = arith.constant 0 : index
    %get3A_0 = arith.constant 0 : index
    %get3A_1 = arith.constant 0 : index
    %get3A_2 = vector.load %arg2[%get3A, %get3A_0, %get3A_1] : memref<1x128x4096xf32, #tpu.memory_space<vmem>>, vector<1x128x4096xf32>
    %get3A_3 = vector.shape_cast %get3A_2 : vector<1x128x4096xf32> to vector<128x4096xf32>
    %transpose3A = tpu.transpose %get3A_3, [1, 0] : vector<128x4096xf32> -> vector<4096x128xf32>
    %swap3A = arith.constant 0 : index
    %swap3A_4 = arith.constant 0 : index
    %swap3A_5 = vector.load %arg3[%swap3A, %swap3A_4] : memref<4096x128xf32, #tpu.memory_space<vmem>>, vector<4096x128xf32>
    tpu.vector_store %arg3[%swap3A, %swap3A_4], %transpose3A {strides = array<i32>} : memref<4096x128xf32, #tpu.memory_space<vmem>>, vector<4096x128xf32>,
    return
  }
  func.func @transform_0(%arg0: i32, %arg1: i32) -> (i32, i32, i32) {
    %c0_i32 = arith.constant 0 : i32
    %c0_i32_0 = arith.constant 0 : i32
    return %arg0, %c0_i32, %arg1 : i32, i32, i32
  }
  func.func @transform_1(%arg0: i32, %arg1: i32) -> (i32, i32) {
    %mul3A = arith.constant 64 : i32
    %mul3A_0 = arith.muli %arg0, %mul3A : i32
    %add3A = arith.addi %mul3A_0, %arg1 : i32
    %c0_i32 = arith.constant 0 : i32
    %c0_i32_1 = arith.constant 0 : i32
    return %add3A, %c0_i32 : i32, i32
  }
}

module attributes {stable_mosaic.version = 14 : i64} {
  func.func @_tr_out_body(%arg0: i32, %arg1: i32, %arg2: memref<1x2048x128xf32, #tpu.memory_space<vmem>>, %arg3: memref<1x128x2048xf32, #tpu.memory_space<vmem>>) attributes {dimension_semantics = [#tpu.dimension_semantics<arbitrary>, #tpu.dimension_semantics<arbitrary>], iteration_bounds = array<i64: 2, 64>, scalar_prefetch = 0 : i64, scratch_operands = 0 : i64, tpu.core_type = #tpu.core_type<tc>, window_params = [{transform_indices = @transform_0, window_bounds = array<i64: 1, 2048, 128>}, {transform_indices = @transform_1, window_bounds = array<i64: 1, 128, 2048>}]} {
    %get3A = arith.constant 0 : index
    %get3A_0 = arith.constant 0 : index
    %get3A_1 = arith.constant 0 : index
    %get3A_2 = vector.load %arg2[%get3A, %get3A_0, %get3A_1] : memref<1x2048x128xf32, #tpu.memory_space<vmem>>, vector<1x2048x128xf32>
    %get3A_3 = vector.shape_cast %get3A_2 : vector<1x2048x128xf32> to vector<2048x128xf32>
    %transpose3A = tpu.transpose %get3A_3, [1, 0] : vector<2048x128xf32> -> vector<128x2048xf32>
    %swap3A = arith.constant 0 : index
    %swap3A_4 = arith.constant 0 : index
    %swap3A_5 = arith.constant 0 : index
    %swap3A_6 = vector.load %arg3[%swap3A, %swap3A_4, %swap3A_5] : memref<1x128x2048xf32, #tpu.memory_space<vmem>>, vector<1x128x2048xf32>
    %swap3A_7 = vector.shape_cast %swap3A_6 : vector<1x128x2048xf32> to vector<128x2048xf32>
    %swap3A_8 = vector.shape_cast %transpose3A : vector<128x2048xf32> to vector<1x128x2048xf32>
    tpu.vector_store %arg3[%swap3A, %swap3A_4, %swap3A_5], %swap3A_8 {strides = array<i32>} : memref<1x128x2048xf32, #tpu.memory_space<vmem>>, vector<1x128x2048xf32>,
    return
  }
  func.func @transform_0(%arg0: i32, %arg1: i32) -> (i32, i32, i32) {
    %c0_i32 = arith.constant 0 : i32
    %c0_i32_0 = arith.constant 0 : i32
    return %arg0, %arg1, %c0_i32 : i32, i32, i32
  }
  func.func @transform_1(%arg0: i32, %arg1: i32) -> (i32, i32, i32) {
    %c0_i32 = arith.constant 0 : i32
    %c0_i32_0 = arith.constant 0 : i32
    return %arg0, %c0_i32, %arg1 : i32, i32, i32
  }
}

</mosaic_0001>

<sc_bundles>
// kernel: kernel.5.cloned.1.call-start
scs
__scs_entry_jumppad:
0x0: {  	(pc) =	sbr.rel $0x88, $3  }
0x1: {  	(tag) =	ssettag $0x0;
	lr =	simm.s32 $0x1  }
0x2: {  	[smem:$0x3F9F] =	sst lr;
	_ =	strace $0xD0000000  }
0x3: {  	_ = 	snop  }
0x4: {  	_ = 	snop  }
0x5: {  	_ = 	snop  }
0x6: {  	_ = 	snop  }
0x7: {  	_ = 	snop  }
__scs_overlays_trampoline_lowered:
0x8: {  	[smem:$0x3FAE] =	sst s0  }
0x9: {  	[smem:$0x3FAF] =	sst s1  }
0xa: {  	[smem:$0x3FB0] =	sst s2  }
0xb: {  	[smem:$0x3FB1] =	sst s3  }
0xc: {  	[smem:$0x3FB2] =	sst s4  }
0xd: {  	[smem:$0x3FB3] =	sst s5  }
0xe: {  	[smem:$0x3FB4] =	sst s6  }
0xf: {  	[smem:$0x3FB5] =	sst s7  }
0x10: {  	[smem:$0x3FB6] =	sst s8  }
0x11: {  	[smem:$0x3FB7] =	sst s9;
	s0 =	simm.s32 @!p0 $0x0  }
0x12: {  	s1 =	sld [smem:$0x3F9D];
	s0 =	simm.s32 @p0 $0x1  }
0x13: {  	[smem:$0x3FB8] =	sst s0;
	s0 =	simm.s32 @!p1 $0x0  }
0x14: {  	s2 =	sld [smem:$0x3F9C];
	s0 =	simm.s32 @p1 $0x1  }
0x15: {  	[smem:$0x3FB9] =	sst s0;
	s0 =	simm.s32 @!p2 $0x0  }
0x16: {  	s3 =	sld [smem:$0x3FDB];
	s0 =	simm.s32 @p2 $0x1  }
0x17: {  	s4 =	simm.s32 $0x1BF5;
	[smem:$0x3FBB] =	sst s0  }
0x18: {  	s0 =	sld [smem:$0x3F9E];
	_ =	swait.ge [sflag:s4], $0x0  }
0x19: {  	s7 =	sld [smem:$0x3F9F]  }
0x1a: {  	s8 =	sadd.s32 $0xFFFFE003, lr  }
0x1b: {  	s9 =	sadd.s32 $0xFFFFFEF7, lr;
	s5 =	simm.s32 $0xFFFFFFFF;
	p2 =	slt.u32 s8, $0xFFFFF086  }
0x1c: {  	p1 =	slt.u32 s9, $0xF7A;
	s5 =	simm.s32 @!p2 $0x0  }
0x1d: {  	s5 =	simm.s32 @p1 $0x1;
	p0 =	seq.s32 s7, s2  }
0x1e: {  	s7 =	smul.u32 @!p0 $0xF7A, s2;
	p2 =	seq.s32 @!p0 s5, $0x0  }
0x1f: {  	s9 =	smul.u32 $0xF7A, s1;
	s8 =	simm.s32 @!p0 $0x1BF5;
	p2 =	por !p2, p0  }
0x20: {  	[sflag:s8] =	ssyncset.s32 @!p0 $0xFFFFF086;
	s6 =	sadd.s32 @!p0 s3, s7;
	s7 =	simm.s32 @!p0 $0x108  }
0x21: {  	s3 =	sadd.s32 s3, s9;
	s6 =	sadd.s32 @!p0 $0x88, s6;
	s7 =	simm.s32 @p2 $0x1082  }
0x22: {  	[simem:s7], [sflag:s8] =	dma.local @!p0 [hbm:s6], $0xF7A  }
0x23: {  	s9 =	sor.u32 $0xD0000000, s2;
	s6 =	simm.s32 $0x108;
	_ =	swait.ge @!p0 [sflag:s8], $0x0  }
0x24: {  	s3 =	sadd.s32 $0x88, s3;
	s6 =	simm.s32 @!p1 $0x1082;
	[sflag:s4] =	ssyncset.s32 $0xFFFFF086  }
0x25: {  	[simem:s6], [sflag:s4] =	dma.local [hbm:s3], $0xF7A  }
0x26: {  	[smem:$0x3F9F] =	sst s1;
	(tag) =	ssettag s2;
	_ =	strace s9  }
0x27: {  	s1 =	sld [smem:$0x3FAF]  }
0x28: {  	s2 =	sld [smem:$0x3FB0]  }
0x29: {  	s4 =	sld [smem:$0x3FB2]  }
0x2a: {  	p0 =	seq.s32 s5, $0x0;
	s5 =	sld [smem:$0x3FB3]  }
0x2b: {  	s6 =	sld [smem:$0x3FB4]  }
0x2c: {  	s7 =	sld [smem:$0x3FB5]  }
0x2d: {  	s3 =	simm.s32 $0x108;
	s8 =	sld [smem:$0x3FB6]  }
0x2e: {  	s3 =	simm.s32 @!p0 $0x1082;
	s9 =	sld [smem:$0x3FB7]  }
0x2f: {  	lr =	sadd.s32 s0, s3;
	s0 =	sld [smem:$0x3FAE]  }
0x30: {  	s3 =	sld [smem:$0x3FB1]  }
0x31: {  	[smem:$0x3FBA] =	sst s10  }
0x32: {  	s10 =	sld [smem:$0x3FB8];
	_ =	sdelay $0x3  }
0x33: {  	p0 =	seq.s32 s10, $0x1;
	s10 =	sld [smem:$0x3FBA];
	_ =	sdelay $0x3  }
0x34: {  	[smem:$0x3FBA] =	sst s10  }
0x35: {  	s10 =	sld [smem:$0x3FB9];
	_ =	sdelay $0x3  }
0x36: {  	p1 =	seq.s32 s10, $0x1;
	s10 =	sld [smem:$0x3FBA];
	_ =	sdelay $0x3  }
0x37: {  	[smem:$0x3FBA] =	sst s10  }
0x38: {  	s10 =	sld [smem:$0x3FBB]  }
0x39: {  	_ = 	snop;
	(pc) =	sbr.ind lr, $3  }
0x3a: {  	_ = 	snop  }
0x3b: {  	_ = 	snop  }
0x3c: {  	p2 =	seq.s32 s10, $0x1;
	s10 =	sld [smem:$0x3FBA]  }
0x3d: {  	_ =	shalt  }
0x3e: {  	_ =	shalt  }
0x3f: {  	_ =	shalt  }
0x40: {  	_ =	shalt  }
0x41: {  	_ =	shalt  }
0x42: {  	_ =	shalt  }
0x43: {  	_ =	shalt  }
0x44: {  	_ =	shalt  }
0x45: {  	_ =	shalt  }
0x46: {  	_ =	shalt  }
0x47: {  	_ =	shalt  }
0x48: {  	_ =	shalt  }
0x49: {  	_ =	shalt  }
0x4a: {  	_ =	shalt  }
0x4b: {  	_ =	shalt  }
0x4c: {  	_ =	shalt  }
0x4d: {  	_ =	shalt  }
0x4e: {  	_ =	shalt  }
0x4f: {  	_ =	shalt  }
0x50: {  	_ =	shalt  }
0x51: {  	_ =	shalt  }
0x52: {  	_ =	shalt  }
0x53: {  	_ =	shalt  }
0x54: {  	_ =	shalt  }
0x55: {  	_ =	shalt  }
0x56: {  	_ =	shalt  }
0x57: {  	_ =	shalt  }
0x58: {  	_ =	shalt  }
0x59: {  	_ =	shalt  }
0x5a: {  	_ =	shalt  }
0x5b: {  	_ =	shalt  }
0x5c: {  	_ =	shalt  }
0x5d: {  	_ =	shalt  }
0x5e: {  	_ =	shalt  }
0x5f: {  	_ =	shalt  }
0x60: {  	_ =	shalt  }
0x61: {  	_ =	shalt  }
0x62: {  	_ =	shalt  }
0x63: {  	_ =	shalt  }
0x64: {  	_ =	shalt  }
0x65: {  	_ =	shalt  }
0x66: {  	_ =	shalt  }
0x67: {  	_ =	shalt  }
0x68: {  	_ =	shalt  }
0x69: {  	_ =	shalt  }
0x6a: {  	_ =	shalt  }
0x6b: {  	_ =	shalt  }
0x6c: {  	_ =	shalt  }
0x6d: {  	_ =	shalt  }
0x6e: {  	_ =	shalt  }
0x6f: {  	_ =	shalt  }
0x70: {  	_ =	shalt  }
0x71: {  	_ =	shalt  }
0x72: {  	_ =	shalt  }
0x73: {  	_ =	shalt  }
0x74: {  	_ =	shalt  }
0x75: {  	_ =	shalt  }
0x76: {  	_ =	shalt  }
0x77: {  	_ =	shalt  }
0x78: {  	_ =	shalt  }
0x79: {  	_ =	shalt  }
0x7a: {  	_ =	shalt  }
0x7b: {  	_ =	shalt  }
0x7c: {  	_ =	shalt  }
0x7d: {  	_ =	shalt  }
0x7e: {  	_ =	shalt  }
0x7f: {  	_ =	shalt  }
0x80: {  	_ =	shalt  }
0x81: {  	_ =	shalt  }
0x82: {  	_ =	shalt  }
0x83: {  	_ =	shalt  }
0x84: {  	_ =	shalt  }
0x85: {  	_ =	shalt  }
0x86: {  	_ =	shalt  }
0x87: {  	_ =	shalt  }
.Lfunc_end0:
.L_simem_size_0:
called_computation.1_lowered:
.L_overlay_start_0:
0x88: {  	s2 =	sld [smem:$0x3FD9]  }
0x89: {  	s3 =	sld [smem:$0x3FFE];
	_ =	sdelay $0x1  }
0x8a: {  	s1 =	srdreg.scid  }
0x8b: {  	s0 =	sand.u32 $0x1, s1  }
0x8c: {  	s17 =	sshll.u32 s0, $0xA;
	s2 =	sadd.s32 s3, s2  }
0x8d: {  	s2 =	sadd.s32 s2, s17  }
0x8e: {  	[smem:$0x3FC6] =	sst s2  }
0x8f: {  	_ = 	snop  }
0x90: {  	s2 =	sld [smem:$0x3FD0];
	(tm) =	ssettm $0x1  }
0x91: {  	s18 =	sld [smem:$0x3FFB];
	_ =	sdelay $0x3  }
0x92: {  	_ =	strace s18  }
0x93: {  	s3 =	sld [smem:$0x3FFC];
	_ =	sdelay $0x3  }
0x94: {  	_ =	strace s3  }
0x95: {  	s3 =	sld [smem:$0x3FFD];
	_ =	sdelay $0x3  }
0x96: {  	_ =	strace s3  }
0x97: {  	_ =	strace $0x8FFFFFFF  }
0x98: {  	s19 =	sld [smem:$0x3FDB];
	_ =	sdelay $0x1  }
0x99: {  	s4 =	simm.s32 $_scs_section_size  }
0x9a: {  	s5 =	simm.s32 $_size__tile_overlayer_lowered;
	s6 =	simm.s32 $_tile_overlayer_lowered  }
0x9b: {  	s22 =	simm.s32 $0x1BFF;
	s21 =	sshll.u32 s6, $0x1;
	s3 =	sadd.s32 s4, s19  }
0x9c: {  	s7 =	simm.s32 $0x0;
	s20 =	sshll.u32 s5, $0x1;
	s5 =	sadd.s32 s21, s3  }
0x9d: {  	[timem:s7], [sflag:s22] =	dma.local [hbm:s5], s20  }
0x9e: {  	_ =	swait.ge [sflag:s22], s20  }
0x9f: {  	s4 =	ssub.s32 $0x0, s20;
	[sflag:s22] =	ssyncset.done $0x0  }
0xa0: {  	[sflag:s22] =	ssyncadd.s32 s4;
	_ =	sdelay $0x1  }
0xa1: {  	s23 =	simm.s32 $0x1B8B  }
0xa2: {  	_ =	swait.ge [sflag:s23], $0x1  }
0xa3: {  	[sflag:s23] =	ssyncset.done $0x0  }
0xa4: {  	s25 =	simm.s32 $0x1B8E;
	s24 =	sld [smem:$0x3FFE];
	[sflag:s23] =	ssyncadd.s32 $0xFFFFFFFF  }
0xa5: {  	s26 =	simm.s32 $execute0_lowered;
	[smem:$0x3FD2] =	sst s25  }
0xa6: {  	s5 =	sshll.u32 s26, $0x1;
	_ =	strace $0x80000046;
	[dreg:$0x1] =	wrdreg $0xFFFFFFFF  }
0xa7: {  	s28 =	simm.s32 $_size_execute0_lowered;
	s3 =	sadd.s32 s3, s5;
	[dreg:$0x0] =	wrdreg $0x0  }
0xa8: {  	s5 =	sshll.u32 s28, $0x1;
	[dreg:$0x2] =	wrdreg s3  }
0xa9: {  	[dreg:$0x3] =	wrdreg s5  }
0xaa: {  	[dreg:$0x4] =	wrdreg $0xC0  }
0xab: {  	_ =	task [dreg:s7], $0x5FFFF  }
0xac: {  	[dreg:$0x1] =	wrdreg $0xFFFFFFFF  }
0xad: {  	[dreg:$0x0] =	wrdreg $0x60  }
0xae: {  	[dreg:$0x2] =	wrdreg s24  }
0xaf: {  	[dreg:$0x3] =	wrdreg s2  }
0xb0: {  	[dreg:$0x4] =	wrdreg $0x9  }
0xb1: {  	_ =	task.clear_ibuf [dreg:s7], $0x5FFFF;
	_ =	strace $0x90000046  }
0xb2: {  	s29 =	simm.s32 $0x9;
	_ =	strace $0x80000048  }
0xb3: {  	_ =	swait.ge [sflag:s29], $0x1  }
0xb4: {  	[sflag:s29] =	ssyncadd.s32 $0xFFFFFFFF  }
0xb5: {  	_ =	strace $0x90000048  }
0xb6: {  	_ =	sfence  }
0xb7: {  	s30 =	sld [smem:$0x0];
	_ =	sdelay $0x2  }
0xb8: {  	s31 =	sshll.u32 s1, $0xD;
	s1 =	sshrl.u32 s1, $0x2  }
0xb9: {  	s3 =	sand.u32 $0x4000, s31;
	s1 =	sadd.s32 s1, s30  }
0xba: {  	s0 =	sor.u32 s3, s0;
	s1 =	sshll.u32 s1, $0x11  }
0xbb: {  	s0 =	sor.u32 s1, s0  }
0xbc: {  	s0 =	sadd.s32 $0x8F2B, s0  }
0xbd: {  	[sflag:s0] =	ssyncadd.remote.s32 $0x1  }
0xbe: {  	_ =	sfence.sel $0xFFFF  }
0xbf: {  	[dreg:$0x0] =	wrdreg $0xFFFFFFFF;
	(pc) =	sbr.abs _section_cstart, $3  }
0xc0: {  	[dreg:$0x1] =	wrdreg $0xFFFFFFFF  }
0xc1: {  	_ =	task.clear_ibuf [dreg:s7], $0x2FFFF;
	_ =	strace $0x9FFFFFFF  }
0xc2: {  	(tm) =	ssettm $0x7FFFFFFF  }
0xc3: {  	_ =	shalt  }
tec
execute0_lowered:
.L_overlay_start_1:
0x0: {  	(tag) =	ssettag $0x1  }
0x1: {  	s4 =	rddreg [dreg:$0x0]  }
0x2: {  	s7 =	rddreg [dreg:$0x1]  }
0x3: {  	s0 =	rddreg [dreg:$0x2];
	s1 =	simm.s32 $0x0  }
0x4: {  	s5 =	srdreg.scid;
	s2 =	stileid.u32;
	s12 =	simm.s32 $0x200  }
0x5: {  	s13 =	simm.s32 $0x400;
	s14 =	simm.s32 $0x1;
	s15 =	simm.s32 $0x300  }
0x6: {  	v0 =	vlaneseq.u32;
	s16 =	simm.s32 $0x380;
	s17 =	simm.s32 $0x10400;
	s9 =	sshrl.u32 s2, $0x3  }
0x7: {  	s18 =	simm.s32 $0x0;
	[smem:$0x7FF] =	sst s1;
	v0 =	vmul.u32 $0x2, v0;
	s11 =	sshll.u32 s9, $0x12  }
0x8: {  	s3 =	sadd.s32 $0x800A00, s4;
	s5 =	sand.u32 $0x1, s5;
	s8 =	sshll.u32 s2, $0x1;
	v1 =	vmov s11  }
0x9: {  	s4 =	sadd.s32 $0xA00, s4;
	_ =	strace $0x80000047;
	s6 =	ssub.s32 $0x2, s5;
	v2 =	vor.u32 $0x1, v0;
	v3 =	vor.u32 $0x20, v0;
	v4 =	vor.u32 $0x21, v0  }
0xa: {  	s8 =	sand.u32 $0xE, s8;
	s31 =	sshll.u32 s9, $0x15;
	s10 =	sshrl.u32 s6, $0x1;
	v5 =	vor.u32 $0x40, v0;
	v6 =	vor.u32 $0x41, v0;
	v7 =	vor.u32 $0x60, v0  }
0xb: {  	s5 =	sor.u32 s5, s8;
	s7 =	sadd.s32 s7, s31;
	s11 =	simm.s32 $0x2;
	v8 =	vor.u32 $0x61, v0;
	v9 =	vor.u32 $0x80, v0;
	v10 =	vor.u32 $0x81, v0  }
0xc: {  	v11 =	vor.u32 $0xA0, v0;
	v12 =	vor.u32 $0xA1, v0;
	v13 =	vor.u32 $0xC0, v0;
	s10 =	ssub.s32 s6, s10;
	s5 =	sshll.u32 s5, $0xD;
	s6 =	sshll.u32 s9, $0x7  }
0xd: {  	v14 =	vor.u32 $0xC1, v0;
	v15 =	vor.u32 $0xE0, v0;
	v16 =	vor.u32 $0xE1, v0;
	s9 =	simm.s32 $0x80;
	s8 =	smax.u32 s10, $0x1;
	s10 =	simm.s32 $0x100  }
.LBB2_1:
0xe: {  	s19 =	simm.s32 $0x0  }
.LBB2_2:
0xf: {  	s20 =	sshll.u32 s19, $0x7  }
0x10: {  	s20 =	sadd.s32 s5, s20  }
0x11: {  	s21 =	sshll.u32 s20, $0x2  }
0x12: {  	s21 =	sor.u32 s6, s21  }
0x13: {  	s21 =	sshrl.u32 s21, $0x3  }
0x14: {  	s22 =	simm.s32 $0x0;
	s21 =	sadd.s32 s4, s21  }
0x15: {  	[tilespmem:s22], [sflag:$0x2] =	stream.strided.gather [hbm4b:s21+s9], $0x100, s10, s9, $0x38;
	[tilespmem:$0x14400] =	vst v63  }
0x16: {  	_ =	swait.ge [sflag:s11], $0x100  }
0x17: {  	[sflag:s11] =	ssyncset.done $0x0  }
0x18: {  	[sflag:s11] =	ssyncadd.s32 $0xFFFFFF00  }
0x19: {  	v17 =	vld.idx.msk [tilespmem:v0+s22+$0x0], $0xffff  }
0x1a: {  	v18 =	vld.idx.msk [tilespmem:v2+s22+$0x0], $0xffff;
	_ =	sdelay $0x3  }
0x1b: {  	v17 =	vmul.f32 $5.110000000e+02, v17  }
0x1c: {  	v18 =	vmul.f32 $5.110000000e+02, v18  }
0x1d: {  	v19 =	vtrunc.f32 v17  }
0x1e: {  	v20 =	vtrunc.f32 v18;
	v19 =	vcvt.f32.s32 v19  }
0x1f: {  	v20 =	vcvt.f32.s32 v20  }
0x20: {  	v21 =	vcvt.s32.f32 v19  }
0x21: {  	v22 =	vcvt.s32.f32 v20  }
0x22: {  	v17 =	vsub.f32 v17, v21  }
0x23: {  	v19 =	vshll.u32 v19, $0x9;
	v18 =	vsub.f32 v18, v22  }
0x24: {  	[tilespmem:$0x300] =	vst v17;
	v17 =	vadd.s32 v1, v19  }
0x25: {  	[tilespmem:$0x380] =	vst v18;
	v17 =	vadd.s32 v20, v17  }
0x26: {  	[tilespmem:$0x100] =	vst v17;
	v18 =	vadd.s32 $0x1, v17  }
0x27: {  	[tilespmem:$0x180] =	vst v18;
	v18 =	vadd.s32 $0x200, v17  }
0x28: {  	v17 =	vadd.s32 $0x201, v17;
	[tilespmem:$0x200] =	vst v18  }
0x29: {  	[tilespmem:$0x280] =	vst v17  }
0x2a: {  	v17 =	vld.idx.msk [tilespmem:v3+s22+$0x0], $0xffff  }
0x2b: {  	v18 =	vld.idx.msk [tilespmem:v4+s22+$0x0], $0xffff;
	_ =	sdelay $0x3  }
0x2c: {  	v17 =	vmul.f32 $5.110000000e+02, v17  }
0x2d: {  	v18 =	vmul.f32 $5.110000000e+02, v18  }
0x2e: {  	v19 =	vtrunc.f32 v17  }
0x2f: {  	v20 =	vtrunc.f32 v18;
	v19 =	vcvt.f32.s32 v19  }
0x30: {  	v20 =	vcvt.f32.s32 v20  }
0x31: {  	v21 =	vcvt.s32.f32 v19  }
0x32: {  	v22 =	vcvt.s32.f32 v20  }
0x33: {  	v17 =	vsub.f32 v17, v21  }
0x34: {  	v19 =	vshll.u32 v19, $0x9;
	v18 =	vsub.f32 v18, v22  }
0x35: {  	[tilespmem:$0x310] =	vst v17;
	v17 =	vadd.s32 v1, v19  }
0x36: {  	[tilespmem:$0x390] =	vst v18;
	v17 =	vadd.s32 v20, v17  }
0x37: {  	[tilespmem:$0x110] =	vst v17;
	v18 =	vadd.s32 $0x1, v17  }
0x38: {  	[tilespmem:$0x190] =	vst v18;
	v18 =	vadd.s32 $0x200, v17  }
0x39: {  	v17 =	vadd.s32 $0x201, v17;
	[tilespmem:$0x210] =	vst v18  }
0x3a: {  	[tilespmem:$0x290] =	vst v17  }
0x3b: {  	v17 =	vld.idx.msk [tilespmem:v5+s22+$0x0], $0xffff  }
0x3c: {  	v18 =	vld.idx.msk [tilespmem:v6+s22+$0x0], $0xffff;
	_ =	sdelay $0x3  }
0x3d: {  	v17 =	vmul.f32 $5.110000000e+02, v17  }
0x3e: {  	v18 =	vmul.f32 $5.110000000e+02, v18  }
0x3f: {  	v19 =	vtrunc.f32 v17  }
0x40: {  	v20 =	vtrunc.f32 v18;
	v19 =	vcvt.f32.s32 v19  }
0x41: {  	v20 =	vcvt.f32.s32 v20  }
0x42: {  	v21 =	vcvt.s32.f32 v19  }
0x43: {  	v22 =	vcvt.s32.f32 v20  }
0x44: {  	v17 =	vsub.f32 v17, v21  }
0x45: {  	v19 =	vshll.u32 v19, $0x9;
	v18 =	vsub.f32 v18, v22  }
0x46: {  	[tilespmem:$0x320] =	vst v17;
	v17 =	vadd.s32 v1, v19  }
0x47: {  	[tilespmem:$0x3A0] =	vst v18;
	v17 =	vadd.s32 v20, v17  }
0x48: {  	[tilespmem:$0x120] =	vst v17;
	v18 =	vadd.s32 $0x1, v17  }
0x49: {  	[tilespmem:$0x1A0] =	vst v18;
	v18 =	vadd.s32 $0x200, v17  }
0x4a: {  	v17 =	vadd.s32 $0x201, v17;
	[tilespmem:$0x220] =	vst v18  }
0x4b: {  	[tilespmem:$0x2A0] =	vst v17  }
0x4c: {  	v17 =	vld.idx.msk [tilespmem:v7+s22+$0x0], $0xffff  }
0x4d: {  	v18 =	vld.idx.msk [tilespmem:v8+s22+$0x0], $0xffff;
	_ =	sdelay $0x3  }
0x4e: {  	v17 =	vmul.f32 $5.110000000e+02, v17  }
0x4f: {  	v18 =	vmul.f32 $5.110000000e+02, v18  }
0x50: {  	v19 =	vtrunc.f32 v17  }
0x51: {  	v20 =	vtrunc.f32 v18;
	v19 =	vcvt.f32.s32 v19  }
0x52: {  	v20 =	vcvt.f32.s32 v20  }
0x53: {  	v21 =	vcvt.s32.f32 v19  }
0x54: {  	v22 =	vcvt.s32.f32 v20  }
0x55: {  	v17 =	vsub.f32 v17, v21  }
0x56: {  	v19 =	vshll.u32 v19, $0x9;
	v18 =	vsub.f32 v18, v22  }
0x57: {  	[tilespmem:$0x330] =	vst v17;
	v17 =	vadd.s32 v1, v19  }
0x58: {  	[tilespmem:$0x3B0] =	vst v18;
	v17 =	vadd.s32 v20, v17  }
0x59: {  	[tilespmem:$0x130] =	vst v17;
	v18 =	vadd.s32 $0x1, v17  }
0x5a: {  	[tilespmem:$0x1B0] =	vst v18;
	v18 =	vadd.s32 $0x200, v17  }
0x5b: {  	v17 =	vadd.s32 $0x201, v17;
	[tilespmem:$0x230] =	vst v18  }
0x5c: {  	[tilespmem:$0x2B0] =	vst v17  }
0x5d: {  	v17 =	vld.idx.msk [tilespmem:v9+s22+$0x0], $0xffff  }
0x5e: {  	v18 =	vld.idx.msk [tilespmem:v10+s22+$0x0], $0xffff;
	_ =	sdelay $0x3  }
0x5f: {  	v17 =	vmul.f32 $5.110000000e+02, v17  }
0x60: {  	v18 =	vmul.f32 $5.110000000e+02, v18  }
0x61: {  	v19 =	vtrunc.f32 v17  }
0x62: {  	v20 =	vtrunc.f32 v18;
	v19 =	vcvt.f32.s32 v19  }
0x63: {  	v20 =	vcvt.f32.s32 v20  }
0x64: {  	v21 =	vcvt.s32.f32 v19  }
0x65: {  	v22 =	vcvt.s32.f32 v20  }
0x66: {  	v17 =	vsub.f32 v17, v21  }
0x67: {  	v19 =	vshll.u32 v19, $0x9;
	v18 =	vsub.f32 v18, v22  }
0x68: {  	[tilespmem:$0x340] =	vst v17;
	v17 =	vadd.s32 v1, v19  }
0x69: {  	[tilespmem:$0x3C0] =	vst v18;
	v17 =	vadd.s32 v20, v17  }
0x6a: {  	[tilespmem:$0x140] =	vst v17;
	v18 =	vadd.s32 $0x1, v17  }
0x6b: {  	[tilespmem:$0x1C0] =	vst v18;
	v18 =	vadd.s32 $0x200, v17  }
0x6c: {  	v17 =	vadd.s32 $0x201, v17;
	[tilespmem:$0x240] =	vst v18  }
0x6d: {  	[tilespmem:$0x2C0] =	vst v17  }
0x6e: {  	v17 =	vld.idx.msk [tilespmem:v11+s22+$0x0], $0xffff  }
0x6f: {  	v18 =	vld.idx.msk [tilespmem:v12+s22+$0x0], $0xffff;
	_ =	sdelay $0x3  }
0x70: {  	v17 =	vmul.f32 $5.110000000e+02, v17  }
0x71: {  	v18 =	vmul.f32 $5.110000000e+02, v18  }
0x72: {  	v19 =	vtrunc.f32 v17  }
0x73: {  	v20 =	vtrunc.f32 v18;
	v19 =	vcvt.f32.s32 v19  }
0x74: {  	v20 =	vcvt.f32.s32 v20  }
0x75: {  	v21 =	vcvt.s32.f32 v19  }
0x76: {  	v22 =	vcvt.s32.f32 v20  }
0x77: {  	v17 =	vsub.f32 v17, v21  }
0x78: {  	v19 =	vshll.u32 v19, $0x9;
	v18 =	vsub.f32 v18, v22  }
0x79: {  	[tilespmem:$0x350] =	vst v17;
	v17 =	vadd.s32 v1, v19  }
0x7a: {  	[tilespmem:$0x3D0] =	vst v18;
	v17 =	vadd.s32 v20, v17  }
0x7b: {  	[tilespmem:$0x150] =	vst v17;
	v18 =	vadd.s32 $0x1, v17  }
0x7c: {  	[tilespmem:$0x1D0] =	vst v18;
	v18 =	vadd.s32 $0x200, v17  }
0x7d: {  	v17 =	vadd.s32 $0x201, v17;
	[tilespmem:$0x250] =	vst v18  }
0x7e: {  	[tilespmem:$0x2D0] =	vst v17  }
0x7f: {  	v17 =	vld.idx.msk [tilespmem:v13+s22+$0x0], $0xffff  }
0x80: {  	v18 =	vld.idx.msk [tilespmem:v14+s22+$0x0], $0xffff;
	_ =	sdelay $0x3  }
0x81: {  	v17 =	vmul.f32 $5.110000000e+02, v17  }
0x82: {  	v18 =	vmul.f32 $5.110000000e+02, v18  }
0x83: {  	v19 =	vtrunc.f32 v17  }
0x84: {  	v20 =	vtrunc.f32 v18;
	v19 =	vcvt.f32.s32 v19  }
0x85: {  	v20 =	vcvt.f32.s32 v20  }
0x86: {  	v21 =	vcvt.s32.f32 v19  }
0x87: {  	v22 =	vcvt.s32.f32 v20  }
0x88: {  	v17 =	vsub.f32 v17, v21  }
0x89: {  	v19 =	vshll.u32 v19, $0x9;
	v18 =	vsub.f32 v18, v22  }
0x8a: {  	[tilespmem:$0x360] =	vst v17;
	v17 =	vadd.s32 v1, v19  }
0x8b: {  	[tilespmem:$0x3E0] =	vst v18;
	v17 =	vadd.s32 v20, v17  }
0x8c: {  	[tilespmem:$0x160] =	vst v17;
	v18 =	vadd.s32 $0x1, v17  }
0x8d: {  	[tilespmem:$0x1E0] =	vst v18;
	v18 =	vadd.s32 $0x200, v17  }
0x8e: {  	v17 =	vadd.s32 $0x201, v17;
	[tilespmem:$0x260] =	vst v18  }
0x8f: {  	[tilespmem:$0x2E0] =	vst v17  }
0x90: {  	v17 =	vld.idx.msk [tilespmem:v15+s22+$0x0], $0xffff  }
0x91: {  	v18 =	vld.idx.msk [tilespmem:v16+s22+$0x0], $0xffff;
	_ =	sdelay $0x3  }
0x92: {  	v17 =	vmul.f32 $5.110000000e+02, v17  }
0x93: {  	v18 =	vmul.f32 $5.110000000e+02, v18  }
0x94: {  	v19 =	vtrunc.f32 v17  }
0x95: {  	v20 =	vtrunc.f32 v18;
	v19 =	vcvt.f32.s32 v19  }
0x96: {  	v20 =	vcvt.f32.s32 v20  }
0x97: {  	v21 =	vcvt.s32.f32 v19  }
0x98: {  	v22 =	vcvt.s32.f32 v20  }
0x99: {  	v17 =	vsub.f32 v17, v21  }
0x9a: {  	v19 =	vshll.u32 v19, $0x9;
	v18 =	vsub.f32 v18, v22  }
0x9b: {  	[tilespmem:$0x370] =	vst v17;
	v17 =	vadd.s32 v1, v19  }
0x9c: {  	[tilespmem:$0x3F0] =	vst v18;
	v17 =	vadd.s32 v20, v17  }
0x9d: {  	[tilespmem:$0x170] =	vst v17;
	v18 =	vadd.s32 $0x1, v17  }
0x9e: {  	[tilespmem:$0x1F0] =	vst v18;
	v18 =	vadd.s32 $0x200, v17  }
0x9f: {  	v17 =	vadd.s32 $0x201, v17;
	[tilespmem:$0x270] =	vst v18  }
0xa0: {  	[tilespmem:$0x2F0] =	vst v17  }
0xa1: {  	[tilespmem:s13], [sflag:$0x1] =	stream.indirect.gather [hbm4b:s3+s12], $0x80, s10, s12, $0xb8;
	[tilespmem:$0x14400] =	vst v63  }
0xa2: {  	_ =	swait.ge [sflag:s14], $0x10000  }
0xa3: {  	[sflag:s14] =	ssyncset.done $0x0  }
0xa4: {  	s21 =	simm.s32 $0x0;
	[sflag:s14] =	ssyncadd.s32 $0xFFFF0000  }
0xa5: {  	v17 =	vld [tilespmem:s21+$0xC460]  }
0xa6: {  	v18 =	vld [tilespmem:s21+$0xC450]  }
0xa7: {  	v19 =	vld [tilespmem:s21+$0xC470]  }
0xa8: {  	v20 =	vld [tilespmem:s21+$0x8440]  }
0xa9: {  	v21 =	vld [tilespmem:s21+$0x8450]  }
0xaa: {  	v22 =	vld [tilespmem:s21+$0x4460]  }
0xab: {  	v23 =	vld [tilespmem:s21+$0x8470]  }
0xac: {  	v24 =	vld [tilespmem:s21+$0x460]  }
0xad: {  	v25 =	vld [tilespmem:s21+$0x440]  }
0xae: {  	v26 =	vld [tilespmem:s21+$0x4440]  }
0xaf: {  	v27 =	vld [tilespmem:s21+$0xC440]  }
0xb0: {  	v28 =	vld [tilespmem:s21+$0x4430]  }
0xb1: {  	v29 =	vld [tilespmem:s21+$0x8420]  }
0xb2: {  	v30 =	vld [tilespmem:s21+$0x430]  }
0xb3: {  	v31 =	vld [tilespmem:s21+$0x4420]  }
0xb4: {  	v33 =	vld [tilespmem:s21+$0xC420]  }
0xb5: {  	v32 =	vmov s22;
	v34 =	vld [tilespmem:s21+$0x8410]  }
0xb6: {  	v32 =	vand.u32 $0xFFFFFFFE, v32;
	v35 =	vld [tilespmem:s21+$0x420]  }
0xb7: {  	v32 =	vbroadcast v32, $0x0;
	v38 =	vld [tilespmem:s21+$0x4400]  }
0xb8: {  	v39 =	vld [tilespmem:s21+$0xC410]  }
0xb9: {  	v40 =	vld [tilespmem:s21+$0x400]  }
0xba: {  	v42 =	vld [tilespmem:s21+$0x4410]  }
0xbb: {  	v44 =	vld [tilespmem:s21+$0x8460]  }
0xbc: {  	v43 =	vld [tilespmem:s21+$0x410]  }
0xbd: {  	v41 =	vld.idx.msk [tilespmem:v32+s16+$0x0], $0xffff  }
0xbe: {  	v47 =	vld [tilespmem:s21+$0xC430];
	v27 =	vsub.f32 v27, v20  }
0xbf: {  	v48 =	vld [tilespmem:s21+$0x8430];
	v22 =	vsub.f32 v22, v24;
	v19 =	vsub.f32 v19, v23  }
0xc0: {  	v49 =	vld [tilespmem:s21+$0x4450];
	v17 =	vsub.f32 v17, v44;
	v39 =	vsub.f32 v39, v34  }
0xc1: {  	v50 =	vld [tilespmem:s21+$0x450];
	v51 =	vsub.f32 v18, v21;
	v18 =	vsub.f32 v42, v43  }
0xc2: {  	v26 =	vsub.f32 v26, v25;
	v33 =	vsub.f32 v33, v29  }
0xc3: {  	v31 =	vsub.f32 v31, v35;
	v22 =	vmul.f32 v22, v41;
	v17 =	vmul.f32 v17, v41  }
0xc4: {  	v32 =	vld.idx.msk [tilespmem:v32+s15+$0x0], $0xffff;
	v28 =	vsub.f32 v28, v30;
	v38 =	vsub.f32 v38, v40  }
0xc5: {  	v36 =	vld [tilespmem:s21+$0xC400];
	v22 =	vadd.f32 v22, v24;
	v17 =	vadd.f32 v17, v44  }
0xc6: {  	v37 =	vld [tilespmem:s21+$0x8400];
	v52 =	vsub.f32 v47, v48;
	v57 =	vsub.f32 v49, v50;
	v18 =	vmul.f32 v18, v41  }
0xc7: {  	v45 =	vld [tilespmem:s21+$0x4470];
	v27 =	vmul.f32 v27, v41;
	v26 =	vmul.f32 v26, v41;
	v17 =	vsub.f32 v17, v22  }
0xc8: {  	v46 =	vld [tilespmem:s21+$0x470];
	v31 =	vmul.f32 v31, v41;
	v43 =	vadd.f32 v18, v43;
	v18 =	vmul.f32 v33, v41  }
0xc9: {  	v60 =	vld [tilespmem:s21+$0x8490];
	v20 =	vadd.f32 v27, v20;
	v25 =	vadd.f32 v26, v25;
	v17 =	vmul.f32 v17, v32  }
0xca: {  	v61 =	vld [tilespmem:s21+$0x4490];
	v31 =	vadd.f32 v31, v35;
	v18 =	vadd.f32 v18, v29  }
0xcb: {  	v62 =	vld [tilespmem:s21+$0x490];
	v39 =	vmul.f32 v39, v41;
	v20 =	vsub.f32 v20, v25;
	v17 =	vadd.f32 v17, v22  }
0xcc: {  	v63 =	vld [tilespmem:s21+$0x4B0];
	v28 =	vmul.f32 v28, v41;
	v53 =	vmul.f32 v38, v41;
	v18 =	vsub.f32 v18, v31  }
0xcd: {  	v42 =	vld [tilespmem:s21+$0xC490];
	v54 =	vmul.f32 v52, v41;
	v20 =	vmul.f32 v20, v32;
	[tilespmem:s21+$0x10460] =	vst v17;
	v17 =	vsub.f32 v36, v37  }
0xce: {  	v27 =	vld [tilespmem:s21+$0x4480];
	v34 =	vadd.f32 v39, v34;
	v28 =	vadd.f32 v28, v30;
	v55 =	vmul.f32 v18, v32  }
0xcf: {  	v24 =	vld [tilespmem:s21+$0xC480];
	v38 =	vadd.f32 v54, v48;
	v20 =	vadd.f32 v20, v25;
	v56 =	vmul.f32 v17, v41  }
0xd0: {  	v19 =	vmul.f32 v19, v41;
	v39 =	vld [tilespmem:s21+$0x44A0];
	v25 =	vsub.f32 v45, v46;
	v31 =	vadd.f32 v55, v31  }
0xd1: {  	v33 =	vld [tilespmem:s21+$0xC4A0];
	[tilespmem:s21+$0x10440] =	vst v20;
	v36 =	vadd.f32 v53, v40;
	v20 =	vadd.f32 v56, v37  }
0xd2: {  	v26 =	vld [tilespmem:s21+$0x44B0];
	v19 =	vadd.f32 v19, v23;
	v34 =	vsub.f32 v34, v43;
	v25 =	vmul.f32 v25, v41  }
0xd3: {  	v35 =	vld [tilespmem:s21+$0x44C0];
	v23 =	vmul.f32 v57, v41;
	[tilespmem:s21+$0x10420] =	vst v31;
	v31 =	vmul.f32 v51, v41;
	v58 =	vsub.f32 v20, v36  }
0xd4: {  	v30 =	vld [tilespmem:s21+$0xC4D0];
	v38 =	vsub.f32 v38, v28;
	v34 =	vmul.f32 v34, v32;
	v25 =	vadd.f32 v25, v46  }
0xd5: {  	v29 =	vld [tilespmem:s21+$0xC4B0];
	v23 =	vadd.f32 v23, v50;
	v21 =	vadd.f32 v31, v21;
	v31 =	vmul.f32 v58, v32  }
0xd6: {  	v22 =	vld [tilespmem:s21+$0xC4C0];
	v34 =	vadd.f32 v34, v43;
	v59 =	vsub.f32 v19, v25  }
0xd7: {  	v38 =	vmul.f32 v38, v32;
	v40 =	vld [tilespmem:s21+$0x84B0];
	v21 =	vsub.f32 v21, v23;
	v31 =	vadd.f32 v31, v36  }
0xd8: {  	s31 =	simm.s32 $0x1;
	[tilespmem:s21+$0x10410] =	vst v34;
	v17 =	vld [tilespmem:s21+$0x84D0];
	v34 =	vmul.f32 v59, v32  }
0xd9: {  	v28 =	vadd.f32 v38, v28;
	v41 =	vld [tilespmem:s21+$0x480];
	v21 =	vmul.f32 v21, v32;
	[tilespmem:s21+$0x10400] =	vst v31;
	v31 =	vmov s31  }
0xda: {  	v37 =	vld [tilespmem:s21+$0x84C0];
	v25 =	vadd.f32 v34, v25  }
0xdb: {  	[tilespmem:s21+$0x10430] =	vst v28;
	v19 =	vld [tilespmem:s21+$0x4A0];
	v21 =	vadd.f32 v21, v23  }
0xdc: {  	v20 =	vld [tilespmem:s21+$0x84A0];
	[tilespmem:s21+$0x10470] =	vst v25  }
0xdd: {  	v25 =	vld [tilespmem:s21+$0x8480];
	[tilespmem:s21+$0x10450] =	vst v21  }
0xde: {  	v23 =	vld.idx.msk [tilespmem:v31+s16+$0x0], $0xffff  }
0xdf: {  	v21 =	vsub.f32 v22, v37;
	v22 =	vsub.f32 v29, v40;
	v29 =	vld [tilespmem:s21+$0x4C0]  }
0xe0: {  	v26 =	vsub.f32 v26, v63;
	v51 =	vsub.f32 v42, v60  }
0xe1: {  	v53 =	vld [tilespmem:s21+$0x44D0];
	v30 =	vsub.f32 v30, v17;
	v27 =	vsub.f32 v27, v41  }
0xe2: {  	v42 =	vld [tilespmem:s21+$0x4D0];
	v52 =	vsub.f32 v24, v25;
	v24 =	vsub.f32 v61, v62  }
0xe3: {  	v18 =	vld [tilespmem:s21+$0x44E0];
	v44 =	vsub.f32 v39, v19;
	v28 =	vsub.f32 v33, v20;
	v54 =	vmul.f32 v21, v23  }
0xe4: {  	v56 =	vld [tilespmem:s21+$0xC4F0];
	v57 =	vsub.f32 v35, v29;
	v33 =	vmul.f32 v51, v23;
	v24 =	vmul.f32 v24, v23  }
0xe5: {  	v34 =	vld [tilespmem:s21+$0x84F0];
	v55 =	vmul.f32 v22, v23;
	v36 =	vmul.f32 v30, v23;
	v35 =	vadd.f32 v54, v37  }
0xe6: {  	v21 =	vld.idx.msk [tilespmem:v31+s15+$0x0], $0xffff;
	v26 =	vmul.f32 v26, v23;
	v22 =	vadd.f32 v24, v62;
	v24 =	vadd.f32 v33, v60  }
0xe7: {  	v38 =	vld [tilespmem:s21+$0x44F0];
	v59 =	vmul.f32 v57, v23;
	v58 =	vadd.f32 v55, v40;
	v60 =	vsub.f32 v53, v42  }
0xe8: {  	v61 =	vmul.f32 v27, v23;
	v30 =	vld [tilespmem:s21+$0x4E0];
	v62 =	vsub.f32 v24, v22;
	v24 =	vadd.f32 v26, v63  }
0xe9: {  	v39 =	vld [tilespmem:s21+$0x4F0];
	v40 =	vmul.f32 v52, v23;
	v27 =	vadd.f32 v59, v29;
	v63 =	vmul.f32 v60, v23  }
0xea: {  	v31 =	vld [tilespmem:s21+$0xC4E0];
	v32 =	vadd.f32 v61, v41;
	v41 =	vmul.f32 v44, v23;
	v29 =	vsub.f32 v58, v24  }
0xeb: {  	s23 =	simm.s32 $0x400;
	s22 =	simm.s32 $0x2;
	v33 =	vld [tilespmem:s21+$0x84E0];
	v26 =	vmul.f32 v62, v21;
	v37 =	vadd.f32 v63, v42;
	v42 =	vsub.f32 v56, v34  }
.LBB2_3:
0xec: {  	s25 =	sshra.s32 s23, $0x2  }
0xed: {  	v43 =	vmov s22;
	p0 =	slt.u32 s22, $0x7E;
	v44 =	vmul.f32 v28, v23;
	v45 =	vsub.f32 v18, v30;
	s24 =	smov.u32 s22;
	s22 =	sadd.s32 $0x2, s22  }
0xee: {  	v35 =	vsub.f32 v35, v27;
	v17 =	vadd.f32 v36, v17;
	v18 =	vand.u32 $0xFFFFFFFE, v43;
	v28 =	vld [tilespmem:s25+$0xC460]  }
0xef: {  	v18 =	vbroadcast v18, $0x0;
	v36 =	vld [tilespmem:s25+$0xC450];
	v20 =	vadd.f32 v44, v20;
	v38 =	vsub.f32 v38, v39  }
0xf0: {  	v42 =	vmul.f32 v42, v23;
	v44 =	vsub.f32 v17, v37;
	v45 =	vmul.f32 v45, v23;
	v43 =	vld [tilespmem:s25+$0xC470]  }
0xf1: {  	v25 =	vadd.f32 v40, v25;
	v19 =	vadd.f32 v41, v19;
	v46 =	vld [tilespmem:s25+$0x8440];
	v38 =	vmul.f32 v38, v23  }
0xf2: {  	v31 =	vsub.f32 v31, v33;
	v34 =	vadd.f32 v42, v34;
	v40 =	vmul.f32 v44, v21;
	v17 =	vld [tilespmem:s25+$0x8450]  }
0xf3: {  	v25 =	vsub.f32 v25, v32;
	v41 =	vld [tilespmem:s25+$0x4460];
	v38 =	vadd.f32 v38, v39  }
0xf4: {  	v23 =	vmul.f32 v31, v23;
	v37 =	vadd.f32 v40, v37;
	v39 =	vld [tilespmem:s25+$0x8470]  }
0xf5: {  	v25 =	vmul.f32 v25, v21;
	v20 =	vsub.f32 v20, v19;
	v31 =	vld [tilespmem:s25+$0x460];
	v34 =	vsub.f32 v34, v38  }
0xf6: {  	v30 =	vadd.f32 v45, v30;
	v23 =	vadd.f32 v23, v33;
	v40 =	vld [tilespmem:s25+$0x440];
	[tilespmem:s21+$0x104D0] =	vst v37  }
0xf7: {  	v25 =	vadd.f32 v25, v32;
	v32 =	vmul.f32 v35, v21;
	v33 =	vld [tilespmem:s25+$0x4440];
	v34 =	vmul.f32 v34, v21  }
0xf8: {  	v20 =	vmul.f32 v20, v21;
	v23 =	vsub.f32 v23, v30;
	v35 =	vld [tilespmem:s25+$0xC440]  }
0xf9: {  	v37 =	vld [tilespmem:s25+$0x4430];
	v42 =	vsub.f32 v43, v39;
	[tilespmem:s21+$0x10480] =	vst v25;
	v25 =	vadd.f32 v34, v38  }
0xfa: {  	v36 =	vsub.f32 v36, v17;
	v23 =	vmul.f32 v23, v21;
	v34 =	vld [tilespmem:s25+$0x8420];
	v38 =	vsub.f32 v41, v31  }
0xfb: {  	v27 =	vadd.f32 v32, v27;
	v21 =	vmul.f32 v29, v21;
	v41 =	vld [tilespmem:s25+$0x430];
	[tilespmem:s21+$0x104F0] =	vst v25  }
0xfc: {  	v19 =	vadd.f32 v20, v19;
	v20 =	vadd.f32 v23, v30;
	v25 =	vld [tilespmem:s25+$0x4420]  }
0xfd: {  	v22 =	vadd.f32 v26, v22;
	v21 =	vadd.f32 v21, v24;
	v23 =	vld [tilespmem:s25+$0xC420];
	[tilespmem:s21+$0x104C0] =	vst v27  }
0xfe: {  	v24 =	vld [tilespmem:s25+$0x8410];
	[tilespmem:s21+$0x104E0] =	vst v20  }
0xff: {  	v20 =	vld [tilespmem:s25+$0x420];
	[tilespmem:s21+$0x104A0] =	vst v19  }
0x100: {  	v19 =	vld [tilespmem:s25+$0xC400];
	[tilespmem:s21+$0x104B0] =	vst v21  }
0x101: {  	v26 =	vsub.f32 v37, v41;
	v21 =	vld [tilespmem:s25+$0x8400];
	[tilespmem:s21+$0x10490] =	vst v22;
	s21 =	smov.u32 s25  }
0x102: {  	v22 =	vld [tilespmem:s21+$0x4400];
	v23 =	vsub.f32 v23, v34  }
0x103: {  	v29 =	vsub.f32 v33, v40;
	v27 =	vld [tilespmem:s21+$0xC410]  }
0x104: {  	v30 =	vld [tilespmem:s21+$0x400]  }
0x105: {  	v32 =	vld.idx.msk [tilespmem:v18+s16+$0x0], $0xffff  }
0x106: {  	v25 =	vsub.f32 v25, v20;
	v19 =	vsub.f32 v19, v21;
	v33 =	vld [tilespmem:s21+$0x4410]  }
0x107: {  	v37 =	vld [tilespmem:s21+$0x410]  }
0x108: {  	v27 =	vsub.f32 v27, v24;
	v43 =	vld [tilespmem:s21+$0x8460]  }
0x109: {  	v35 =	vsub.f32 v35, v46;
	v22 =	vsub.f32 v22, v30;
	v44 =	vld [tilespmem:s21+$0x4470]  }
0x10a: {  	v45 =	vld [tilespmem:s21+$0x470]  }
0x10b: {  	v27 =	vmul.f32 v27, v32;
	v35 =	vmul.f32 v35, v32;
	v47 =	vld [tilespmem:s21+$0xC430]  }
0x10c: {  	v25 =	vmul.f32 v25, v32;
	v42 =	vmul.f32 v42, v32;
	v33 =	vsub.f32 v33, v37;
	v48 =	vld [tilespmem:s21+$0x8430]  }
0x10d: {  	v29 =	vmul.f32 v29, v32;
	v22 =	vmul.f32 v22, v32;
	v35 =	vadd.f32 v35, v46;
	v46 =	vld [tilespmem:s21+$0x4450]  }
0x10e: {  	v36 =	vmul.f32 v36, v32;
	v28 =	vsub.f32 v28, v43;
	v33 =	vmul.f32 v33, v32;
	v49 =	vld [tilespmem:s21+$0x450]  }
0x10f: {  	v24 =	vadd.f32 v27, v24;
	v27 =	vmul.f32 v38, v32;
	v38 =	vadd.f32 v42, v39;
	v39 =	vld [tilespmem:s21+$0x4480]  }
0x110: {  	v28 =	vmul.f32 v28, v32;
	v42 =	vld.idx.msk [tilespmem:v18+s15+$0x0], $0xffff;
	v33 =	vadd.f32 v33, v37;
	v18 =	vadd.f32 v29, v40  }
0x111: {  	v23 =	vmul.f32 v23, v32;
	v27 =	vadd.f32 v27, v31;
	v29 =	vsub.f32 v47, v48;
	v31 =	vld [tilespmem:s21+$0xC480]  }
0x112: {  	v26 =	vmul.f32 v26, v32;
	v37 =	vsub.f32 v44, v45;
	v28 =	vadd.f32 v28, v43;
	v40 =	vld [tilespmem:s21+$0xC490]  }
0x113: {  	v23 =	vadd.f32 v23, v34;
	v34 =	vadd.f32 v36, v17;
	v29 =	vmul.f32 v29, v32;
	v36 =	vld [tilespmem:s21+$0x44A0]  }
0x114: {  	v17 =	vmul.f32 v19, v32;
	v19 =	vsub.f32 v46, v49;
	v28 =	vsub.f32 v28, v27;
	v43 =	vld [tilespmem:s21+$0xC4A0]  }
0x115: {  	v20 =	vadd.f32 v25, v20;
	v25 =	vadd.f32 v26, v41;
	v26 =	vmul.f32 v37, v32;
	v37 =	vld [tilespmem:s21+$0x44B0]  }
0x116: {  	v24 =	vsub.f32 v24, v33;
	v35 =	vsub.f32 v35, v18;
	v28 =	vmul.f32 v28, v42;
	v41 =	vld [tilespmem:s21+$0xC4B0]  }
0x117: {  	v22 =	vadd.f32 v22, v30;
	v23 =	vsub.f32 v23, v20;
	v19 =	vmul.f32 v19, v32;
	v30 =	vld [tilespmem:s21+$0x44C0]  }
0x118: {  	v17 =	vadd.f32 v17, v21;
	v21 =	vmul.f32 v35, v42;
	v27 =	vadd.f32 v28, v27;
	v28 =	vld [tilespmem:s21+$0xC4C0]  }
0x119: {  	v26 =	vadd.f32 v26, v45;
	v23 =	vmul.f32 v23, v42;
	v29 =	vadd.f32 v29, v48;
	v32 =	vld [tilespmem:s21+$0xC4D0]  }
0x11a: {  	v35 =	vsub.f32 v17, v22;
	v24 =	vmul.f32 v24, v42;
	v21 =	vadd.f32 v21, v18;
	[tilespmem:s21+$0x10460] =	vst v27;
	v18 =	vld [tilespmem:s21+$0x44E0]  }
0x11b: {  	v20 =	vadd.f32 v23, v20;
	v23 =	vsub.f32 v29, v25;
	v17 =	vld [tilespmem:s21+$0x84D0]  }
0x11c: {  	v24 =	vadd.f32 v24, v33;
	[tilespmem:s21+$0x10440] =	vst v21;
	v21 =	vadd.f32 v19, v49;
	v27 =	vld [tilespmem:s21+$0x84C0]  }
0x11d: {  	v29 =	vsub.f32 v38, v26;
	v23 =	vmul.f32 v23, v42;
	v19 =	vmul.f32 v35, v42;
	[tilespmem:s21+$0x10420] =	vst v20;
	v33 =	vld [tilespmem:s21+$0x84B0]  }
0x11e: {  	[tilespmem:s21+$0x10410] =	vst v24;
	v24 =	vsub.f32 v34, v21;
	v20 =	vld [tilespmem:s21+$0x84A0]  }
0x11f: {  	s24 =	sadd.s32 $0x1, s24;
	v23 =	vadd.f32 v23, v25;
	v25 =	vmul.f32 v29, v42;
	v22 =	vadd.f32 v19, v22;
	v19 =	vld [tilespmem:s21+$0x4A0]  }
0x120: {  	v29 =	vmov s24;
	v24 =	vmul.f32 v24, v42;
	v34 =	vld [tilespmem:s21+$0x8490];
	v32 =	vsub.f32 v32, v17  }
0x121: {  	[tilespmem:s21+$0x10430] =	vst v23;
	v23 =	vadd.f32 v25, v26;
	v26 =	vld [tilespmem:s21+$0x4490];
	v35 =	vsub.f32 v28, v27  }
0x122: {  	[tilespmem:s21+$0x10400] =	vst v22;
	v21 =	vadd.f32 v24, v21;
	v22 =	vld [tilespmem:s21+$0x490];
	v24 =	vsub.f32 v41, v33  }
0x123: {  	[tilespmem:s21+$0x10470] =	vst v23;
	v25 =	vld [tilespmem:s21+$0x8480];
	v28 =	vsub.f32 v43, v20  }
0x124: {  	[tilespmem:s21+$0x10450] =	vst v21;
	v41 =	vld [tilespmem:s21+$0x480];
	v42 =	vsub.f32 v36, v19  }
0x125: {  	v23 =	vld.idx.msk [tilespmem:v29+s16+$0x0], $0xffff;
	v36 =	vsub.f32 v40, v34  }
0x126: {  	v21 =	vld.idx.msk [tilespmem:v29+s15+$0x0], $0xffff  }
0x127: {  	v29 =	vld [tilespmem:s21+$0x4B0]  }
0x128: {  	v40 =	vsub.f32 v31, v25;
	v43 =	vld [tilespmem:s21+$0x4C0]  }
0x129: {  	v39 =	vsub.f32 v39, v41;
	v44 =	vld [tilespmem:s21+$0x4D0]  }
0x12a: {  	v26 =	vsub.f32 v26, v22;
	v45 =	vld [tilespmem:s21+$0x44D0]  }
0x12b: {  	v46 =	vmul.f32 v36, v23;
	v35 =	vmul.f32 v35, v23;
	v31 =	vld [tilespmem:s21+$0xC4E0]  }
0x12c: {  	v26 =	vmul.f32 v26, v23;
	v24 =	vmul.f32 v24, v23;
	v37 =	vsub.f32 v37, v29;
	v47 =	vld [tilespmem:s21+$0xC4F0]  }
0x12d: {  	v36 =	vmul.f32 v32, v23;
	v35 =	vadd.f32 v35, v27;
	v30 =	vsub.f32 v30, v43;
	v38 =	vld [tilespmem:s21+$0x44F0]  }
0x12e: {  	v22 =	vadd.f32 v26, v22;
	v26 =	vadd.f32 v46, v34;
	v27 =	vmul.f32 v37, v23;
	v34 =	vld [tilespmem:s21+$0x84F0]  }
.Ltmp0:
0x12f: {  	v37 =	vadd.f32 v24, v33;
	v32 =	vmul.f32 v30, v23;
	v45 =	vsub.f32 v45, v44;
	v30 =	vld [tilespmem:s21+$0x4E0];
	(pc) =	sbr.rel @p0 .LBB2_3-.Ltmp0, $4  }
0x130: {  	v46 =	vmul.f32 v39, v23;
	v26 =	vsub.f32 v26, v22;
	v24 =	vadd.f32 v27, v29;
	v33 =	vld [tilespmem:s21+$0x84E0]  }
0x131: {  	v40 =	vmul.f32 v40, v23;
	v27 =	vadd.f32 v32, v43;
	v43 =	vmul.f32 v45, v23;
	v39 =	vld [tilespmem:s21+$0x4F0]  }
0x132: {  	v26 =	vmul.f32 v26, v21;
	v32 =	vadd.f32 v46, v41;
	v29 =	vsub.f32 v37, v24  }
0x133: {  	s23 =	sadd.s32 $0x400, s23;
	v41 =	vmul.f32 v42, v23;
	v37 =	vadd.f32 v43, v44;
	v42 =	vsub.f32 v47, v34  }
0x134: {  	_ =	sdelay $0x1  }
0x135: {  	v18 =	vsub.f32 v18, v30;
	v38 =	vsub.f32 v38, v39  }
0x136: {  	v35 =	vsub.f32 v35, v27;
	v17 =	vadd.f32 v36, v17  }
0x137: {  	v52 =	vmul.f32 v42, v23;
	v31 =	vsub.f32 v31, v33;
	v38 =	vmul.f32 v38, v23  }
0x138: {  	v25 =	vadd.f32 v40, v25;
	v17 =	vsub.f32 v17, v37;
	v18 =	vmul.f32 v18, v23  }
0x139: {  	v34 =	vadd.f32 v52, v34;
	v31 =	vmul.f32 v31, v23;
	v53 =	vadd.f32 v38, v39  }
0x13a: {  	v54 =	vmul.f32 v28, v23;
	v19 =	vadd.f32 v41, v19;
	v18 =	vadd.f32 v18, v30  }
0x13b: {  	v17 =	vmul.f32 v17, v21;
	v56 =	vadd.f32 v31, v33;
	v55 =	vsub.f32 v34, v53  }
0x13c: {  	v25 =	vsub.f32 v25, v32;
	v20 =	vadd.f32 v54, v20;
	v60 =	vmul.f32 v35, v21  }
0x13d: {  	v17 =	vadd.f32 v17, v37;
	v59 =	vsub.f32 v56, v18;
	v58 =	vmul.f32 v55, v21  }
0x13e: {  	v57 =	vmul.f32 v25, v21;
	v20 =	vsub.f32 v20, v19;
	v62 =	vadd.f32 v60, v27  }
0x13f: {  	[tilespmem:s21+$0x104D0] =	vst v17;
	v61 =	vmul.f32 v59, v21;
	v17 =	vadd.f32 v58, v53  }
0x140: {  	v23 =	vadd.f32 v57, v32;
	v20 =	vmul.f32 v20, v21;
	[tilespmem:s21+$0x104C0] =	vst v62  }
0x141: {  	v63 =	vmul.f32 v29, v21;
	[tilespmem:s21+$0x104F0] =	vst v17;
	v17 =	vadd.f32 v61, v18  }
0x142: {  	[tilespmem:s21+$0x10480] =	vst v23;
	v18 =	vadd.f32 v20, v19  }
0x143: {  	v19 =	vadd.f32 v63, v24;
	[tilespmem:s21+$0x104E0] =	vst v17  }
0x144: {  	s19 =	sadd.s32 $0x1, s19;
	v17 =	vadd.f32 v26, v22;
	[tilespmem:s21+$0x104A0] =	vst v18  }
0x145: {  	s20 =	sshll.u32 s20, $0x4;
	p0 =	sne.s32 s19, $0x40;
	[tilespmem:s21+$0x104B0] =	vst v19  }
.Ltmp1:
0x146: {  	s20 =	sadd.s32 s20, s7;
	[tilespmem:s21+$0x10490] =	vst v17;
	(pc) =	sbr.rel @p0 .LBB2_2-.Ltmp1, $4  }
0x147: {  	[hbm4b:s20+s1] =	stream.linear.scatter [tilespmem:s17], [sflag:$0x2], $0x4000, $0x38;
	[tilespmem:$0x14400] =	vst v63  }
0x148: {  	_ =	swait.ge [sflag:s11], $0x4000  }
0x149: {  	[sflag:s11] =	ssyncset.done $0x0  }
0x14a: {  	[sflag:s11] =	ssyncadd.s32 $0xFFFFC000  }
0x14b: {  	s18 =	sadd.s32 $0x1, s18  }
0x14c: {  	p0 =	sne.s32 s18, s8  }
.Ltmp2:
0x14d: {  	_ = 	snop;
	(pc) =	sbr.rel @p0 .LBB2_1-.Ltmp2, $1  }
0x14e: {  	_ =	sdelay $0x3  }
0x14f: {  	_ =	sfence.sel $0x180000  }
0x150: {  	[bflag:$0x0] =	sbarrier.arrive $0xFFFF  }
0x151: {  	p0 =	sne.s32 s2, $0x0;
	_ =	strace $0x90000047  }
0x152: {  	s0 =	sadd.s32 @!p0 $0x100000, s0;
	[bflag:$0x2] =	sbarrier.arrive $0xFFFF  }
0x153: {  	[sflag:s0] =	ssyncadd.tile.s32 @!p0 $0x1;
	_ =	shalt  }
.Lfunc_end2:
_tile_overlayer_lowered:
.L_overlay_start_2:
0x154: {  	(tag) =	ssettag $0x2  }
0x155: {  	s0 =	rddreg [dreg:$0x0];
	s2 =	stileid.u32  }
0x156: {  	s1 =	rddreg [dreg:$0x1];
	p0 =	sne.s32 s2, $0x0  }
0x157: {  	s3 =	rddreg [dreg:$0x2];
	[bflag:$0x3] =	sbarrier.arrive $0xFFFF;
	s2 =	simm.s32 @!p0 $0x1C02  }
0x158: {  	[timem:s3], [sflag:s2] =	dma.local @!p0 [hbm:s0], s1  }
0x159: {  	s0 =	simm.s32 @!p0 $0x2  }
0x15a: {  	_ =	swait.ge @!p0 [sflag:s0], s1  }
0x15b: {  	s1 =	ssub.s32 @!p0 $0x0, s1;
	[sflag:s0] =	ssyncset.done @!p0 $0x0  }
0x15c: {  	[sflag:s0] =	ssyncadd.s32 @!p0 s1  }
0x15d: {  	[bflag:$0x3] =	sbarrier.arrive $0xFFFF  }
0x15e: {  	_ =	shalt  }

// kernel: sparse-core-data-format-call.cloned.1.call-start
scs
called_computation_lowered:
.L_overlay_start_0:
0x0: {  	s2 =	sld [smem:$0x3FD9]  }
0x1: {  	s3 =	sld [smem:$0x3FFE];
	_ =	sdelay $0x1  }
0x2: {  	s1 =	srdreg.scid  }
0x3: {  	s0 =	sand.u32 $0x1, s1  }
0x4: {  	s18 =	sshll.u32 s0, $0xA;
	s2 =	sadd.s32 s3, s2  }
0x5: {  	s2 =	sadd.s32 s2, s18  }
0x6: {  	[smem:$0x3FC6] =	sst s2  }
0x7: {  	_ = 	snop  }
0x8: {  	s2 =	sld [smem:$0x3FD0];
	(tm) =	ssettm $0x1  }
0x9: {  	s19 =	sld [smem:$0x3FFB];
	_ =	sdelay $0x3  }
0xa: {  	_ =	strace s19  }
0xb: {  	s3 =	sld [smem:$0x3FFC];
	_ =	sdelay $0x3  }
0xc: {  	_ =	strace s3  }
0xd: {  	s3 =	sld [smem:$0x3FFD];
	_ =	sdelay $0x3  }
0xe: {  	_ =	strace s3  }
0xf: {  	_ =	strace $0x8FFFFFFF  }
0x10: {  	s20 =	sld [smem:$0x3FDB];
	_ =	sdelay $0x1  }
0x11: {  	s4 =	simm.s32 $_scs_section_size  }
0x12: {  	s5 =	simm.s32 $_size__tile_overlayer_lowered;
	s6 =	simm.s32 $_tile_overlayer_lowered  }
0x13: {  	s23 =	simm.s32 $0x1BFF;
	s22 =	sshll.u32 s6, $0x1;
	s3 =	sadd.s32 s4, s20  }
0x14: {  	s7 =	simm.s32 $0x0;
	s21 =	sshll.u32 s5, $0x1;
	s5 =	sadd.s32 s22, s3  }
0x15: {  	[timem:s7], [sflag:s23] =	dma.local [hbm:s5], s21  }
0x16: {  	_ =	swait.ge [sflag:s23], s21  }
0x17: {  	s4 =	ssub.s32 $0x0, s21;
	[sflag:s23] =	ssyncset.done $0x0  }
0x18: {  	[sflag:s23] =	ssyncadd.s32 s4;
	_ =	sdelay $0x1  }
0x19: {  	s24 =	simm.s32 $0x1B8B  }
0x1a: {  	_ =	swait.ge [sflag:s24], $0x1  }
0x1b: {  	[sflag:s24] =	ssyncset.done $0x0  }
0x1c: {  	s26 =	simm.s32 $0x1B8E;
	s25 =	sld [smem:$0x3FFE];
	[sflag:s24] =	ssyncadd.s32 $0xFFFFFFFF  }
0x1d: {  	s27 =	simm.s32 $execute0_lowered;
	[smem:$0x3FD2] =	sst s26  }
0x1e: {  	s5 =	sshll.u32 s27, $0x1;
	_ =	strace $0x80000049;
	[dreg:$0x1] =	wrdreg $0xFFFFFFFF  }
0x1f: {  	s28 =	simm.s32 $_size_execute0_lowered;
	s3 =	sadd.s32 s3, s5;
	[dreg:$0x0] =	wrdreg $0x0  }
0x20: {  	s5 =	sshll.u32 s28, $0x1;
	[dreg:$0x2] =	wrdreg s3  }
0x21: {  	[dreg:$0x3] =	wrdreg s5  }
0x22: {  	[dreg:$0x4] =	wrdreg $0xC0  }
0x23: {  	_ =	task [dreg:s7], $0x5FFFF  }
0x24: {  	[dreg:$0x1] =	wrdreg $0xFFFFFFFF  }
0x25: {  	[dreg:$0x0] =	wrdreg $0x60  }
0x26: {  	[dreg:$0x2] =	wrdreg s25  }
0x27: {  	[dreg:$0x3] =	wrdreg s2  }
0x28: {  	[dreg:$0x4] =	wrdreg $0x9  }
0x29: {  	_ =	task.clear_ibuf [dreg:s7], $0x5FFFF;
	_ =	strace $0x90000049  }
0x2a: {  	s29 =	simm.s32 $0x9;
	_ =	strace $0x8000004B  }
0x2b: {  	_ =	swait.ge [sflag:s29], $0x1  }
0x2c: {  	[sflag:s29] =	ssyncadd.s32 $0xFFFFFFFF  }
0x2d: {  	_ =	strace $0x9000004B  }
0x2e: {  	_ =	sfence  }
0x2f: {  	s30 =	sld [smem:$0x0];
	_ =	sdelay $0x2  }
0x30: {  	s31 =	sshll.u32 s1, $0xD;
	s1 =	sshrl.u32 s1, $0x2  }
0x31: {  	s3 =	sand.u32 $0x4000, s31;
	s1 =	sadd.s32 s1, s30  }
0x32: {  	s0 =	sor.u32 s3, s0;
	s1 =	sshll.u32 s1, $0x11  }
0x33: {  	s0 =	sor.u32 s1, s0  }
0x34: {  	s0 =	sadd.s32 $0x8F2B, s0  }
0x35: {  	[sflag:s0] =	ssyncadd.remote.s32 $0x1  }
0x36: {  	_ =	sfence.sel $0xFFFF  }
0x37: {  	[dreg:$0x0] =	wrdreg $0xFFFFFFFF;
	(pc) =	sbr.abs _section_cstart, $3  }
0x38: {  	[dreg:$0x1] =	wrdreg $0xFFFFFFFF  }
0x39: {  	_ =	task.clear_ibuf [dreg:s7], $0x2FFFF;
	_ =	strace $0x9FFFFFFF  }
0x3a: {  	(tm) =	ssettm $0x7FFFFFFF  }
0x3b: {  	_ =	shalt  }
tec
execute0_lowered:
.L_overlay_start_1:
0x0: {  	(tag) =	ssettag $0x1  }
0x1: {  	s0 =	stileid.u32  }
0x2: {  	s1 =	srdreg.scid;
	s5 =	rddreg [dreg:$0x0];
	s31 =	simm.s32 $0x2  }
0x3: {  	s15 =	simm.s32 $0x0;
	s2 =	sshll.u32 s0, $0x2;
	s1 =	sshll.u32 s1, $0x6  }
0x4: {  	s9 =	simm.s32 $0x20000;
	s10 =	simm.s32 $0x0;
	s1 =	sor.u32 s2, s1  }
0x5: {  	s16 =	simm.s32 $0x0;
	s17 =	simm.s32 $0x0;
	s1 =	sand.u32 $0x78, s1  }
0x6: {  	s11 =	simm.s32 $0x0;
	s2 =	sand.u32 $0x1, s0;
	s3 =	ssub.s32 $0x80, s1  }
0x7: {  	s14 =	simm.s32 $0x0;
	s4 =	ssub.s32 $0x2, s2;
	s6 =	sand.u32 $0x78, s3  }
0x8: {  	s7 =	sshrl.u32 s4, $0x1;
	p0 =	sne.s32 s6, $0x0;
	s6 =	simm.s32 $0x1  }
0x9: {  	s8 =	sand.u32 $0x1, s4;
	s3 =	sshrl.u32 s3, $0x7;
	s6 =	simm.s32 @!p0 $0x0  }
.Ltmp0:
0xa: {  	s7 =	sadd.s32 s8, s7;
	s6 =	sadd.s32 s6, s3;
	(pc) =	sbr.rel .LBB1_1-.Ltmp0, $4  }
0xb: {  	s5 =	sadd.s32 $0xA00, s5;
	s4 =	rddreg [dreg:$0x1];
	s7 =	smul.u32 s6, s7  }
0xc: {  	s3 =	rddreg [dreg:$0x2];
	_ =	strace $0x8000004A;
	s6 =	simm.s32 $0x1  }
0xd: {  	s13 =	smov.u32 s2;
	[sflag:s6] =	ssyncpa.u1 $0x0;
	s7 =	sshll.u32 s7, $0x6  }
0xe: {  	s12 =	smov.u32 s1;
	[sflag:s31] =	ssyncpa.u1 $0x0;
	s8 =	sor.u32 $0x1, s7  }
.LBB1_7:
0xf: {  	s18 =	sadd.s32 $0x800, s11  }
0x10: {  	s15 =	sadd.s32 $0x80, s12;
	s19 =	smov.u32 s12;
	p1 =	sgt.s32 s18, $0x1FFFF  }
0x11: {  	s19 =	smov.u32 @p1 s15  }
0x12: {  	s21 =	smov.u32 s13;
	s15 =	sadd.s32 $0x2, s13;
	p2 =	sgt.s32 s19, $0x7F  }
0x13: {  	s21 =	smov.u32 @p2 s15  }
0x14: {  	s18 =	simm.s32 @p1 $0x0;
	p1 =	sgt.s32 s21, $0x1  }
0x15: {  	p0 =	slt.u32 s14, $0x2;
	s21 =	smov.u32 @p1 s2;
	p1 =	sne.s32 s14, s8  }
.Ltmp1:
0x16: {  	s20 =	simm.s32 @!p0 $0x2;
	(pc) =	sbr.rel @!p1 .LBB1_8-.Ltmp1, $4  }
0x17: {  	s16 =	smov.u32 s12;
	s17 =	smov.u32 s13;
	_ =	swait.ge @!p0 [sflag:s20], $0x4000  }
0x18: {  	s10 =	sadd.s32 $0x4000, s10;
	[sflag:s20] =	ssyncset.done @!p0 $0x0;
	s19 =	smov.u32 @p2 s1  }
0x19: {  	s15 =	smov.u32 s11;
	[sflag:s20] =	ssyncadd.s32 @!p0 $0xFFFFC000;
	s11 =	smov.u32 s18  }
0x1a: {  	s12 =	smov.u32 s19;
	s14 =	sadd.s32 $0x1, s14;
	s13 =	smov.u32 s21  }
.LBB1_1:
0x1b: {  	p0 =	sge.u32 s14, s7;
	s31 =	sadd.s32 $0xFFFFFFFF, s14  }
0x1c: {  	s18 =	sxor.u32 @!p0 $0xFFFFFFFF, s14;
	s19 =	sand.u32 @!p0 $0x78, s11;
	s20 =	sshll.u32 @!p0 s12, $0x11  }
0x1d: {  	s21 =	sshll.u32 @!p0 s11, $0x3;
	s22 =	sshll.u32 @!p0 s12, $0x7;
	s20 =	sand.u32 @!p0 $0xF00000, s20  }
0x1e: {  	s22 =	sand.u32 @!p0 $0x380, s22;
	s20 =	sadd.s32 @!p0 s20, s21;
	s21 =	sand.u32 @!p0 $0x1FC00, s21  }
0x1f: {  	s19 =	sor.u32 @!p0 s22, s19;
	s22 =	sshll.u32 @!p0 s13, $0x15;
	s20 =	sshrl.u32 @!p0 s20, $0x3  }
0x20: {  	s19 =	sor.u32 @!p0 s21, s19;
	s21 =	sadd.s32 @!p0 s5, s22;
	s20 =	sand.u32 @!p0 $0x1FC000, s20  }
0x21: {  	s18 =	sshll.u32 @!p0 s18, $0xE;
	s19 =	sshrl.u32 @!p0 s19, $0x3;
	s20 =	sadd.s32 @!p0 s20, s21  }
0x22: {  	s18 =	sand.u32 @!p0 $0x4000, s18;
	s19 =	sadd.s32 @!p0 s19, s20;
	s20 =	sand.u32 @!p0 $0x7, s11  }
0x23: {  	[tilespmem:s18], [sflag:$0x1] =	stream.linear.gather @!p0 [hbm4b:s19+s20], $0x4000, $0x38;
	[tilespmem:$0x10000] =	vst v63  }
0x24: {  	p0 =	sge.u32 s31, s7  }
.Ltmp2:
0x25: {  	_ = 	snop;
	(pc) =	sbr.rel @p0 .LBB1_7-.Ltmp2, $1  }
0x26: {  	_ =	sdelay $0x3  }
0x27: {  	s18 =	sand.u32 $0x4000, s10  }
0x28: {  	_ =	swait.ge [sflag:s6], $0x4000;
	s21 =	sshll.u32 s14, $0xE;
	s19 =	sor.u32 $0x8100, s18  }
0x29: {  	s20 =	sor.u32 $0x800, s18;
	[sflag:s6] =	ssyncset.done $0x0;
	s31 =	sand.u32 $0x4000, s21  }
0x2a: {  	s21 =	simm.s32 $0x0;
	[sflag:s6] =	ssyncadd.s32 $0xFFFFC000;
	s18 =	sor.u32 $0x8000, s31  }
.LBB1_3:
0x2b: {  	v0 =	vld [tilespmem:s20+$0x470]  }
0x2c: {  	v1 =	vld [tilespmem:s20+$0xFFFFF810]  }
0x2d: {  	v2 =	vld [tilespmem:s20+$0xFFFFF820]  }
0x2e: {  	v3 =	vld [tilespmem:s20+$0xFFFFF830]  }
0x2f: {  	v4 =	vld [tilespmem:s20+$0xFFFFF840]  }
0x30: {  	v5 =	vld [tilespmem:s20+$0xFFFFF850];
	[tilespmem:s19+$0xF0] =	vst v0  }
0x31: {  	[tilespmem:s19+$0xFFFFFF10] =	vst v1;
	v0 =	vld [tilespmem:s20+$0xFFFFF860]  }
0x32: {  	[tilespmem:s19+$0xFFFFFF20] =	vst v2;
	v1 =	vld [tilespmem:s20+$0xFFFFF870]  }
0x33: {  	[tilespmem:s19+$0xFFFFFF30] =	vst v3;
	v2 =	vld [tilespmem:s20+$0xFFFFFC00]  }
0x34: {  	[tilespmem:s19+$0xFFFFFF40] =	vst v4;
	v3 =	vld [tilespmem:s20+$0xFFFFFC10]  }
0x35: {  	[tilespmem:s19+$0xFFFFFF50] =	vst v5;
	v4 =	vld [tilespmem:s20+$0xFFFFFC20]  }
0x36: {  	v5 =	vld [tilespmem:s20+$0x420];
	[tilespmem:s19+$0xFFFFFF60] =	vst v0  }
0x37: {  	v0 =	vld [tilespmem:s20+$0xFFFFFC30];
	[tilespmem:s19+$0xFFFFFF70] =	vst v1  }
0x38: {  	v1 =	vld [tilespmem:s20+$0xFFFFFC40];
	[tilespmem:s19+$0xFFFFFF80] =	vst v2  }
0x39: {  	[tilespmem:s19+$0xFFFFFF90] =	vst v3;
	v3 =	vld [tilespmem:s20+$0xFFFFFC60]  }
0x3a: {  	[tilespmem:s19+$0xFFFFFFA0] =	vst v4;
	v4 =	vld [tilespmem:s20+$0xFFFFFC70]  }
0x3b: {  	v2 =	vld [tilespmem:s20+$0xFFFFFC50];
	[tilespmem:s19+$0xA0] =	vst v5  }
0x3c: {  	[tilespmem:s19+$0xFFFFFFB0] =	vst v0;
	v0 =	vld [tilespmem:s20+$0x0]  }
0x3d: {  	[tilespmem:s19+$0xFFFFFFC0] =	vst v1;
	v1 =	vld [tilespmem:s20+$0x10]  }
0x3e: {  	[tilespmem:s19+$0xFFFFFFE0] =	vst v3;
	v3 =	vld [tilespmem:s20+$0x30]  }
0x3f: {  	[tilespmem:s19+$0xFFFFFFF0] =	vst v4;
	v4 =	vld [tilespmem:s20+$0x40]  }
0x40: {  	[tilespmem:s19+$0xFFFFFFD0] =	vst v2;
	v2 =	vld [tilespmem:s20+$0x20]  }
0x41: {  	[tilespmem:s19+$0x0] =	vst v0;
	v0 =	vld [tilespmem:s20+$0x50]  }
0x42: {  	[tilespmem:s19+$0x10] =	vst v1;
	v1 =	vld [tilespmem:s20+$0x60]  }
0x43: {  	[tilespmem:s19+$0x30] =	vst v3;
	v3 =	vld [tilespmem:s20+$0x400]  }
0x44: {  	[tilespmem:s19+$0x40] =	vst v4;
	v4 =	vld [tilespmem:s20+$0x410]  }
0x45: {  	[tilespmem:s19+$0x20] =	vst v2;
	v2 =	vld [tilespmem:s20+$0x70]  }
0x46: {  	[tilespmem:s19+$0x50] =	vst v0;
	v0 =	vld [tilespmem:s20+$0x430]  }
0x47: {  	[tilespmem:s19+$0x60] =	vst v1;
	v1 =	vld [tilespmem:s20+$0x440]  }
0x48: {  	[tilespmem:s19+$0x80] =	vst v3;
	v3 =	vld [tilespmem:s20+$0x450]  }
0x49: {  	[tilespmem:s19+$0x90] =	vst v4;
	v4 =	vld [tilespmem:s20+$0x460]  }
0x4a: {  	s23 =	simm.s32 $0x0;
	s24 =	sadd.s32 $0x1000, s20;
	s22 =	smov.u32 s19;
	[tilespmem:s19+$0x70] =	vst v2;
	v2 =	vld [tilespmem:s20+$0xFFFFF800]  }
.LBB1_4:
0x4b: {  	v5 =	vld [tilespmem:s24+$0x470];
	s23 =	sadd.s32 $0x200, s23;
	[tilespmem:s22+$0xB0] =	vst v0  }
0x4c: {  	v0 =	vld [tilespmem:s24+$0xFFFFF810];
	p0 =	slt.u32 s23, $0x600;
	[tilespmem:s22+$0xC0] =	vst v1  }
0x4d: {  	v1 =	vld [tilespmem:s24+$0xFFFFF820];
	[tilespmem:s22+$0xD0] =	vst v3  }
0x4e: {  	v3 =	vld [tilespmem:s24+$0xFFFFF830];
	[tilespmem:s22+$0xE0] =	vst v4  }
0x4f: {  	v4 =	vld [tilespmem:s24+$0xFFFFF840];
	[tilespmem:s22+$0xFFFFFF00] =	vst v2;
	s22 =	sadd.s32 $0x200, s22  }
0x50: {  	v2 =	vld [tilespmem:s24+$0xFFFFF850];
	[tilespmem:s22+$0xF0] =	vst v5  }
0x51: {  	[tilespmem:s22+$0xFFFFFF10] =	vst v0;
	v0 =	vld [tilespmem:s24+$0xFFFFF860]  }
0x52: {  	[tilespmem:s22+$0xFFFFFF20] =	vst v1;
	v1 =	vld [tilespmem:s24+$0xFFFFF870]  }
0x53: {  	[tilespmem:s22+$0xFFFFFF30] =	vst v3;
	v3 =	vld [tilespmem:s24+$0xFFFFFC00]  }
0x54: {  	[tilespmem:s22+$0xFFFFFF40] =	vst v4;
	v4 =	vld [tilespmem:s24+$0xFFFFFC10]  }
0x55: {  	[tilespmem:s22+$0xFFFFFF50] =	vst v2;
	v2 =	vld [tilespmem:s24+$0xFFFFFC20]  }
0x56: {  	[tilespmem:s22+$0xFFFFFF60] =	vst v0;
	v0 =	vld [tilespmem:s24+$0xFFFFFC30]  }
0x57: {  	[tilespmem:s22+$0xFFFFFF70] =	vst v1;
	v1 =	vld [tilespmem:s24+$0xFFFFFC40]  }
0x58: {  	[tilespmem:s22+$0xFFFFFF80] =	vst v3;
	v3 =	vld [tilespmem:s24+$0xFFFFFC50]  }
0x59: {  	[tilespmem:s22+$0xFFFFFF90] =	vst v4;
	v4 =	vld [tilespmem:s24+$0xFFFFFC60]  }
0x5a: {  	[tilespmem:s22+$0xFFFFFFA0] =	vst v2;
	v2 =	vld [tilespmem:s24+$0xFFFFFC70]  }
0x5b: {  	[tilespmem:s22+$0xFFFFFFB0] =	vst v0;
	v0 =	vld [tilespmem:s24+$0x0]  }
0x5c: {  	[tilespmem:s22+$0xFFFFFFC0] =	vst v1;
	v1 =	vld [tilespmem:s24+$0x10]  }
0x5d: {  	[tilespmem:s22+$0xFFFFFFD0] =	vst v3;
	v3 =	vld [tilespmem:s24+$0x20]  }
0x5e: {  	[tilespmem:s22+$0xFFFFFFE0] =	vst v4;
	v4 =	vld [tilespmem:s24+$0x30]  }
0x5f: {  	[tilespmem:s22+$0xFFFFFFF0] =	vst v2;
	v2 =	vld [tilespmem:s24+$0x40]  }
0x60: {  	[tilespmem:s22+$0x0] =	vst v0;
	v0 =	vld [tilespmem:s24+$0x50]  }
0x61: {  	[tilespmem:s22+$0x10] =	vst v1;
	v1 =	vld [tilespmem:s24+$0x60]  }
0x62: {  	[tilespmem:s22+$0x20] =	vst v3;
	v3 =	vld [tilespmem:s24+$0x70]  }
0x63: {  	[tilespmem:s22+$0x30] =	vst v4;
	v4 =	vld [tilespmem:s24+$0x400]  }
0x64: {  	[tilespmem:s22+$0x40] =	vst v2;
	v2 =	vld [tilespmem:s24+$0x410]  }
0x65: {  	[tilespmem:s22+$0x50] =	vst v0;
	v5 =	vld [tilespmem:s24+$0x420]  }
.Ltmp3:
0x66: {  	[tilespmem:s22+$0x60] =	vst v1;
	v0 =	vld [tilespmem:s24+$0x430];
	(pc) =	sbr.rel @p0 .LBB1_4-.Ltmp3, $4  }
0x67: {  	[tilespmem:s22+$0x70] =	vst v3;
	v1 =	vld [tilespmem:s24+$0x440]  }
0x68: {  	[tilespmem:s22+$0x80] =	vst v4;
	v3 =	vld [tilespmem:s24+$0x450]  }
0x69: {  	[tilespmem:s22+$0x90] =	vst v2;
	v4 =	vld [tilespmem:s24+$0x460]  }
0x6a: {  	v2 =	vld [tilespmem:s24+$0xFFFFF800];
	[tilespmem:s22+$0xA0] =	vst v5;
	s24 =	sadd.s32 $0x1000, s24  }
0x6b: {  	s21 =	sadd.s32 $0x1, s21  }
0x6c: {  	p0 =	sne.s32 s21, $0x8  }
.Ltmp4:
0x6d: {  	[tilespmem:s22+$0xB0] =	vst v0;
	(pc) =	sbr.rel @p0 .LBB1_3-.Ltmp4, $4  }
0x6e: {  	[tilespmem:s22+$0xC0] =	vst v1  }
0x6f: {  	[tilespmem:s22+$0xD0] =	vst v3  }
0x70: {  	[tilespmem:s22+$0xE0] =	vst v4  }
0x71: {  	s19 =	sadd.s32 $0x800, s19;
	s20 =	sadd.s32 $0x80, s20;
	[tilespmem:s22+$0xFFFFFF00] =	vst v2  }
.Ltmp5:
0x72: {  	s17 =	sshll.u32 s17, $0x15;
	s16 =	sshll.u32 s16, $0xE;
	(pc) =	sbr.rel .LBB1_7-.Ltmp5, $4  }
0x73: {  	s19 =	sshrl.u32 s15, $0x3;
	s31 =	sand.u32 $0x7, s15;
	s17 =	sadd.s32 s4, s17  }
0x74: {  	s19 =	sand.u32 $0x3FFF, s19;
	s15 =	sshll.u32 s31, $0x12;
	s16 =	sadd.s32 s16, s17  }
0x75: {  	s15 =	sor.u32 $0x800, s15;
	s16 =	sadd.s32 s19, s16  }
0x76: {  	[hbm4b:s16+s15] =	stream.strided.scatter [tilespmem:s18], [sflag:$0x2], $0x4000, s9, s15, $0x38;
	[tilespmem:$0x10000] =	vst v63  }
.LBB1_8:
0x77: {  	_ =	sfence.sel $0x180000  }
0x78: {  	s1 =	simm.s32 $0x1;
	[bflag:$0x0] =	sbarrier.arrive $0xFFFF  }
0x79: {  	s31 =	simm.s32 $0x2;
	[sflag:s1] =	ssyncpa.u1 $0x1  }
0x7a: {  	[sflag:s31] =	ssyncpa.u1 $0x1  }
0x7b: {  	p0 =	sne.s32 s0, $0x0;
	_ =	strace $0x9000004A  }
0x7c: {  	s0 =	sadd.s32 @!p0 $0x100000, s3;
	[bflag:$0x2] =	sbarrier.arrive $0xFFFF  }
0x7d: {  	[sflag:s0] =	ssyncadd.tile.s32 @!p0 $0x1;
	_ =	shalt  }
.Lfunc_end1:
_tile_overlayer_lowered:
.L_overlay_start_2:
0x7e: {  	(tag) =	ssettag $0x2  }
0x7f: {  	s0 =	rddreg [dreg:$0x0];
	s2 =	stileid.u32  }
0x80: {  	s1 =	rddreg [dreg:$0x1];
	p0 =	sne.s32 s2, $0x0  }
0x81: {  	s3 =	rddreg [dreg:$0x2];
	[bflag:$0x3] =	sbarrier.arrive $0xFFFF;
	s2 =	simm.s32 @!p0 $0x1C01  }
0x82: {  	[timem:s3], [sflag:s2] =	dma.local @!p0 [hbm:s0], s1  }
0x83: {  	s0 =	simm.s32 @!p0 $0x1  }
0x84: {  	_ =	swait.ge @!p0 [sflag:s0], s1  }
0x85: {  	s1 =	ssub.s32 @!p0 $0x0, s1;
	[sflag:s0] =	ssyncset.done @!p0 $0x0  }
0x86: {  	[sflag:s0] =	ssyncadd.s32 @!p0 s1  }
0x87: {  	[bflag:$0x3] =	sbarrier.arrive $0xFFFF  }
0x88: {  	_ =	shalt  }

</sc_bundles>
